<compile_context>
chip_gen: v7x
topology: tpu7x:2x2x1
jax: 0.10.2.dev20260603
libtpu: 0.0.44.dev20260713+nightly
codegen_flags: <defaults>
</compile_context>

<pallas_src>
import functools

import jax
import jax.numpy as jnp
from jax import lax
from jax.experimental import pallas as pl
from jax.experimental.pallas import tpu as pltpu
from jax.experimental.pallas import tpu_sc as plsc

B = 16384
F = 26
V = 1_040_000

NC = 2
NS = 16
NW = NC * NS
BPW = B // NW
NIDX = BPW * F
VS = V // NS
SCH = 13000


def _sc_lookup_sum(xT, tableT, bias):
    mesh = plsc.VectorSubcoreMesh(core_axis_name="c", subcore_axis_name="s")

    @functools.partial(
        pl.kernel,
        mesh=mesh,
        compiler_params=pltpu.CompilerParams(
            needs_layout_passes=False,
            disable_bounds_checks=True,
            disable_semaphore_checks=True,
            skip_device_barrier=True,
        ),
        out_type=jax.ShapeDtypeStruct((1, B), jnp.float32),
        scratch_types=[
            pltpu.VMEM((NIDX,), jnp.int32),
            pltpu.VMEM((NIDX,), jnp.float32),
            pltpu.VMEM((BPW,), jnp.float32),
            pltpu.VMEM((16,), jnp.float32),
            pltpu.VMEM((SCH,), jnp.float32),
            pltpu.VMEM((SCH,), jnp.float32),
            pltpu.VMEM_SHARED((V,), jnp.float32),
            pltpu.SemaphoreType.DMA,
            pltpu.SemaphoreType.DMA,
            pltpu.SemaphoreType.DMA,
        ],
    )
    def k(xT_hbm, table_hbm, bias_hbm, out_hbm, idx_v, vals_v, out_v, bias_v,
          stage_a, stage_b, table_sh, sem, sem2, sem3):
        sid = lax.axis_index("s")
        wid = sid * NC + lax.axis_index("c")
        base = wid * BPW

        zidx = lax.iota(jnp.int32, 16) * 0
        bias_cp = pltpu.async_copy(bias_hbm.at[zidx], bias_v, sem3)
        idx_cps = [
            pltpu.async_copy(
                xT_hbm.at[f, pl.ds(base, BPW)],
                idx_v.at[pl.ds(f * BPW, BPW)], sem3,
            )
            for f in range(F)
        ]

        stages = [stage_a, stage_b]
        out_cps = [None, None]
        for j in range(VS // SCH):
            off = sid * VS + j * SCH
            if out_cps[j % 2] is not None:
                out_cps[j % 2].wait()
            pltpu.async_copy(
                table_hbm.at[0].at[pl.ds(off, SCH)], stages[j % 2], sem
            ).wait()
            out_cps[j % 2] = pltpu.async_copy(
                stages[j % 2], table_sh.at[pl.ds(off, SCH)], sem2
            )
        for cp in out_cps:
            cp.wait()
        for cp in idx_cps:
            cp.wait()
        plsc.subcore_barrier()

        pltpu.async_copy(table_sh.at[idx_v], vals_v, sem).wait()
        bias_cp.wait()
        bv = bias_v[...]

        def acc_all(g, _):
            o = g * 16
            acc = bv
            for f in range(F):
                acc = acc + vals_v[pl.ds(f * BPW + o, 16)]
            out_v[pl.ds(o, 16)] = acc
            return _

        lax.fori_loop(0, BPW // 16, acc_all, None, unroll=False)

        pltpu.sync_copy(out_v, out_hbm.at[0].at[pl.ds(base, BPW)])

    return k(xT, tableT, bias)


def kernel(x, fc_weight, bias):
    out = _sc_lookup_sum(x.T, fc_weight.T, bias.astype(jnp.float32))
    return out.T

# --- scband reference (transcript-rebuilt; emitter-appended) ---
"""Pipeline reference for scband-features-linear-35716948034173 (READ-ONLY COPY).

The authoritative reference and input builder live on the scoring server;
editing this copy changes nothing except your own understanding.
"""

import jax, jax.numpy as jnp
import numpy as np

FIELD_DIMS = [40000] * 26
TOTAL_VOCAB = sum(FIELD_DIMS)  # 1_040_000
OUTPUT_DIM = 1
BATCH = 16384
N_FIELDS = 26


def setup_inputs(seed: int = 0) -> dict:
    key = jax.random.key(seed)
    k_x, k_w = jax.random.split(key)
    x = jax.random.randint(k_x, (BATCH, N_FIELDS), 0, TOTAL_VOCAB, dtype=jnp.int64 if jax.config.jax_enable_x64 else jnp.int32)
    x = x.astype(jnp.int32)
    # nn.Embedding default init: N(0, 1)
    fc_weight = jax.random.normal(k_w, (TOTAL_VOCAB, OUTPUT_DIM), dtype=jnp.float32)
    bias = jnp.zeros((OUTPUT_DIM,), dtype=jnp.float32)
    return {"x": x, "fc_weight": fc_weight, "bias": bias}


def reference(x, fc_weight, bias):
    # FeaturesLinear.forward: sum(Embedding(x), dim=1) + bias
    emb = jnp.take(fc_weight, x, axis=0)          # [B, F, output_dim] gather
    out = jnp.sum(emb, axis=1) + bias             # [B, output_dim]
    return out

if __name__ == "__main__":
    import jax
    _d = setup_inputs()
    print(jax.jit(kernel)(*tuple(_d.values())))

</pallas_src>

<mosaic_0001>
#map = affine_map<(d0, d1) -> (0, 0)>
#map1 = affine_map<(d0, d1) -> (0)>
module attributes {stable_mosaic.version = 14 : i64} {
  func.func @k(%arg0: i32, %arg1: i32, %arg2: memref<26x16384xi32, #tpu.memory_space<hbm>>, %arg3: memref<1x1040000xf32, #tpu.memory_space<hbm>>, %arg4: memref<1xf32, #tpu.memory_space<hbm>>, %arg5: memref<1x16384xf32, #tpu.memory_space<hbm>>, %arg6: memref<13312xi32, #tpu.memory_space<vmem>>, %arg7: memref<13312xf32, #tpu.memory_space<vmem>>, %arg8: memref<512xf32, #tpu.memory_space<vmem>>, %arg9: memref<16xf32, #tpu.memory_space<vmem>>, %arg10: memref<13000xf32, #tpu.memory_space<vmem>>, %arg11: memref<13000xf32, #tpu.memory_space<vmem>>, %arg12: memref<1040000xf32, #tpu.memory_space<vmem_shared>>, %arg13: memref<!tpu.dma_semaphore, #tpu.memory_space<semaphore_mem>>, %arg14: memref<!tpu.dma_semaphore, #tpu.memory_space<semaphore_mem>>, %arg15: memref<!tpu.dma_semaphore, #tpu.memory_space<semaphore_mem>>) attributes {dimension_semantics = [#tpu.dimension_semantics<core_parallel>, #tpu.dimension_semantics<subcore_parallel>], iteration_bounds = array<i64: 2, 16>, scalar_prefetch = 0 : i64, scratch_operands = 10 : i64, tpu.core_type = #tpu.core_type<sc_vector_subcore>, window_params = [{transform_indices = #map}, {transform_indices = #map}, {transform_indices = #map1}, {transform_indices = #map}]} {
    %mul3A = arith.constant 2 : i32
    %mul3A_0 = arith.muli %arg1, %mul3A : i32
    %add3A = arith.addi %mul3A_0, %arg0 : i32
    %mul3A_1 = arith.constant 512 : i32
    %mul3A_2 = arith.muli %add3A, %mul3A_1 : i32
    %iota3A = tpu.iota {dimensions = array<i32: 0>} : vector<16xi32>
    %mul3A_3 = arith.constant 0 : i32
    %mul3A_4 = vector.broadcast %mul3A_3 : i32 to vector<16xi32>
    %mul3A_5 = arith.muli %iota3A, %mul3A_4 : vector<16xi32>
    %dma_start3A = arith.constant 0 : i32
    %dma_start3A_6 = tpu.memref_slice %arg4[%dma_start3A] : memref<1xf32, #tpu.memory_space<hbm>> -> memref<1xf32, #tpu.memory_space<hbm>>
    tpu.enqueue_indirect_dma source(%dma_start3A_6 : memref<1xf32, #tpu.memory_space<hbm>>) target(%arg9 : memref<16xf32, #tpu.memory_space<vmem>>) offsets(%mul3A_5 : vector<16xi32>) semaphore(%arg15 : memref<!tpu.dma_semaphore, #tpu.memory_space<semaphore_mem>>)
    %dma_start3A_7 = arith.constant 0 : i32
    %dma_start3A_8 = arith.constant 0 : i32
    %dma_start3A_9 = tpu.memref_slice %arg6[%dma_start3A_8] : memref<13312xi32, #tpu.memory_space<vmem>> -> memref<512xi32, #tpu.memory_space<vmem>>
    %dma_start3A_10 = tpu.memref_slice %arg2[%dma_start3A_7, %mul3A_2] : memref<26x16384xi32, #tpu.memory_space<hbm>> -> memref<1x512xi32, #tpu.memory_space<hbm>>
    %dma_start3A_11 = tpu.memref_squeeze %dma_start3A_10 : memref<1x512xi32, #tpu.memory_space<hbm>> -> memref<512xi32, #tpu.memory_space<hbm>>
    %dma_start3A_12 = arith.constant 0 : i32
    %dma_start3A_13 = tpu.memref_slice %arg6[%dma_start3A_12] : memref<13312xi32, #tpu.memory_space<vmem>> -> memref<512xi32, #tpu.memory_space<vmem>>
    %dma_start3A_14 = tpu.memref_slice %arg2[%dma_start3A_7, %mul3A_2] : memref<26x16384xi32, #tpu.memory_space<hbm>> -> memref<1x512xi32, #tpu.memory_space<hbm>>
    %dma_start3A_15 = tpu.memref_squeeze %dma_start3A_14 : memref<1x512xi32, #tpu.memory_space<hbm>> -> memref<512xi32, #tpu.memory_space<hbm>>
    tpu.enqueue_dma source(%dma_start3A_15 : memref<512xi32, #tpu.memory_space<hbm>>) target(%dma_start3A_13 : memref<512xi32, #tpu.memory_space<vmem>>) target_semaphore(%arg15 : memref<!tpu.dma_semaphore, #tpu.memory_space<semaphore_mem>>)
    %dma_start3A_16 = arith.constant 1 : i32
    %dma_start3A_17 = arith.constant 512 : i32
    %dma_start3A_18 = tpu.memref_slice %arg6[%dma_start3A_17] : memref<13312xi32, #tpu.memory_space<vmem>> -> memref<512xi32, #tpu.memory_space<vmem>>
    %dma_start3A_19 = tpu.memref_slice %arg2[%dma_start3A_16, %mul3A_2] : memref<26x16384xi32, #tpu.memory_space<hbm>> -> memref<1x512xi32, #tpu.memory_space<hbm>>
    %dma_start3A_20 = tpu.memref_squeeze %dma_start3A_19 : memref<1x512xi32, #tpu.memory_space<hbm>> -> memref<512xi32, #tpu.memory_space<hbm>>
    %dma_start3A_21 = arith.constant 512 : i32
    %dma_start3A_22 = tpu.memref_slice %arg6[%dma_start3A_21] : memref<13312xi32, #tpu.memory_space<vmem>> -> memref<512xi32, #tpu.memory_space<vmem>>
    %dma_start3A_23 = tpu.memref_slice %arg2[%dma_start3A_16, %mul3A_2] : memref<26x16384xi32, #tpu.memory_space<hbm>> -> memref<1x512xi32, #tpu.memory_space<hbm>>
    %dma_start3A_24 = tpu.memref_squeeze %dma_start3A_23 : memref<1x512xi32, #tpu.memory_space<hbm>> -> memref<512xi32, #tpu.memory_space<hbm>>
    tpu.enqueue_dma source(%dma_start3A_24 : memref<512xi32, #tpu.memory_space<hbm>>) target(%dma_start3A_22 : memref<512xi32, #tpu.memory_space<vmem>>) target_semaphore(%arg15 : memref<!tpu.dma_semaphore, #tpu.memory_space<semaphore_mem>>)
    %dma_start3A_25 = arith.constant 2 : i32
    %dma_start3A_26 = arith.constant 1024 : i32
    %dma_start3A_27 = tpu.memref_slice %arg6[%dma_start3A_26] : memref<13312xi32, #tpu.memory_space<vmem>> -> memref<512xi32, #tpu.memory_space<vmem>>
    %dma_start3A_28 = tpu.memref_slice %arg2[%dma_start3A_25, %mul3A_2] : memref<26x16384xi32, #tpu.memory_space<hbm>> -> memref<1x512xi32, #tpu.memory_space<hbm>>
    %dma_start3A_29 = tpu.memref_squeeze %dma_start3A_28 : memref<1x512xi32, #tpu.memory_space<hbm>> -> memref<512xi32, #tpu.memory_space<hbm>>
    %dma_start3A_30 = arith.constant 1024 : i32
    %dma_start3A_31 = tpu.memref_slice %arg6[%dma_start3A_30] : memref<13312xi32, #tpu.memory_space<vmem>> -> memref<512xi32, #tpu.memory_space<vmem>>
    %dma_start3A_32 = tpu.memref_slice %arg2[%dma_start3A_25, %mul3A_2] : memref<26x16384xi32, #tpu.memory_space<hbm>> -> memref<1x512xi32, #tpu.memory_space<hbm>>
    %dma_start3A_33 = tpu.memref_squeeze %dma_start3A_32 : memref<1x512xi32, #tpu.memory_space<hbm>> -> memref<512xi32, #tpu.memory_space<hbm>>
    tpu.enqueue_dma source(%dma_start3A_33 : memref<512xi32, #tpu.memory_space<hbm>>) target(%dma_start3A_31 : memref<512xi32, #tpu.memory_space<vmem>>) target_semaphore(%arg15 : memref<!tpu.dma_semaphore, #tpu.memory_space<semaphore_mem>>)
    %dma_start3A_34 = arith.constant 3 : i32
    %dma_start3A_35 = arith.constant 1536 : i32
    %dma_start3A_36 = tpu.memref_slice %arg6[%dma_start3A_35] : memref<13312xi32, #tpu.memory_space<vmem>> -> memref<512xi32, #tpu.memory_space<vmem>>
    %dma_start3A_37 = tpu.memref_slice %arg2[%dma_start3A_34, %mul3A_2] : memref<26x16384xi32, #tpu.memory_space<hbm>> -> memref<1x512xi32, #tpu.memory_space<hbm>>
    %dma_start3A_38 = tpu.memref_squeeze %dma_start3A_37 : memref<1x512xi32, #tpu.memory_space<hbm>> -> memref<512xi32, #tpu.memory_space<hbm>>
    %dma_start3A_39 = arith.constant 1536 : i32
    %dma_start3A_40 = tpu.memref_slice %arg6[%dma_start3A_39] : memref<13312xi32, #tpu.memory_space<vmem>> -> memref<512xi32, #tpu.memory_space<vmem>>
    %dma_start3A_41 = tpu.memref_slice %arg2[%dma_start3A_34, %mul3A_2] : memref<26x16384xi32, #tpu.memory_space<hbm>> -> memref<1x512xi32, #tpu.memory_space<hbm>>
    %dma_start3A_42 = tpu.memref_squeeze %dma_start3A_41 : memref<1x512xi32, #tpu.memory_space<hbm>> -> memref<512xi32, #tpu.memory_space<hbm>>
    tpu.enqueue_dma source(%dma_start3A_42 : memref<512xi32, #tpu.memory_space<hbm>>) target(%dma_start3A_40 : memref<512xi32, #tpu.memory_space<vmem>>) target_semaphore(%arg15 : memref<!tpu.dma_semaphore, #tpu.memory_space<semaphore_mem>>)
    %dma_start3A_43 = arith.constant 4 : i32
    %dma_start3A_44 = arith.constant 2048 : i32
    %dma_start3A_45 = tpu.memref_slice %arg6[%dma_start3A_44] : memref<13312xi32, #tpu.memory_space<vmem>> -> memref<512xi32, #tpu.memory_space<vmem>>
    %dma_start3A_46 = tpu.memref_slice %arg2[%dma_start3A_43, %mul3A_2] : memref<26x16384xi32, #tpu.memory_space<hbm>> -> memref<1x512xi32, #tpu.memory_space<hbm>>
    %dma_start3A_47 = tpu.memref_squeeze %dma_start3A_46 : memref<1x512xi32, #tpu.memory_space<hbm>> -> memref<512xi32, #tpu.memory_space<hbm>>
    %dma_start3A_48 = arith.constant 2048 : i32
    %dma_start3A_49 = tpu.memref_slice %arg6[%dma_start3A_48] : memref<13312xi32, #tpu.memory_space<vmem>> -> memref<512xi32, #tpu.memory_space<vmem>>
    %dma_start3A_50 = tpu.memref_slice %arg2[%dma_start3A_43, %mul3A_2] : memref<26x16384xi32, #tpu.memory_space<hbm>> -> memref<1x512xi32, #tpu.memory_space<hbm>>
    %dma_start3A_51 = tpu.memref_squeeze %dma_start3A_50 : memref<1x512xi32, #tpu.memory_space<hbm>> -> memref<512xi32, #tpu.memory_space<hbm>>
    tpu.enqueue_dma source(%dma_start3A_51 : memref<512xi32, #tpu.memory_space<hbm>>) target(%dma_start3A_49 : memref<512xi32, #tpu.memory_space<vmem>>) target_semaphore(%arg15 : memref<!tpu.dma_semaphore, #tpu.memory_space<semaphore_mem>>)
    %dma_start3A_52 = arith.constant 5 : i32
    %dma_start3A_53 = arith.constant 2560 : i32
    %dma_start3A_54 = tpu.memref_slice %arg6[%dma_start3A_53] : memref<13312xi32, #tpu.memory_space<vmem>> -> memref<512xi32, #tpu.memory_space<vmem>>
    %dma_start3A_55 = tpu.memref_slice %arg2[%dma_start3A_52, %mul3A_2] : memref<26x16384xi32, #tpu.memory_space<hbm>> -> memref<1x512xi32, #tpu.memory_space<hbm>>
    %dma_start3A_56 = tpu.memref_squeeze %dma_start3A_55 : memref<1x512xi32, #tpu.memory_space<hbm>> -> memref<512xi32, #tpu.memory_space<hbm>>
    %dma_start3A_57 = arith.constant 2560 : i32
    %dma_start3A_58 = tpu.memref_slice %arg6[%dma_start3A_57] : memref<13312xi32, #tpu.memory_space<vmem>> -> memref<512xi32, #tpu.memory_space<vmem>>
    %dma_start3A_59 = tpu.memref_slice %arg2[%dma_start3A_52, %mul3A_2] : memref<26x16384xi32, #tpu.memory_space<hbm>> -> memref<1x512xi32, #tpu.memory_space<hbm>>
    %dma_start3A_60 = tpu.memref_squeeze %dma_start3A_59 : memref<1x512xi32, #tpu.memory_space<hbm>> -> memref<512xi32, #tpu.memory_space<hbm>>
    tpu.enqueue_dma source(%dma_start3A_60 : memref<512xi32, #tpu.memory_space<hbm>>) target(%dma_start3A_58 : memref<512xi32, #tpu.memory_space<vmem>>) target_semaphore(%arg15 : memref<!tpu.dma_semaphore, #tpu.memory_space<semaphore_mem>>)
    %dma_start3A_61 = arith.constant 6 : i32
    %dma_start3A_62 = arith.constant 3072 : i32
    %dma_start3A_63 = tpu.memref_slice %arg6[%dma_start3A_62] : memref<13312xi32, #tpu.memory_space<vmem>> -> memref<512xi32, #tpu.memory_space<vmem>>
    %dma_start3A_64 = tpu.memref_slice %arg2[%dma_start3A_61, %mul3A_2] : memref<26x16384xi32, #tpu.memory_space<hbm>> -> memref<1x512xi32, #tpu.memory_space<hbm>>
    %dma_start3A_65 = tpu.memref_squeeze %dma_start3A_64 : memref<1x512xi32, #tpu.memory_space<hbm>> -> memref<512xi32, #tpu.memory_space<hbm>>
    %dma_start3A_66 = arith.constant 3072 : i32
    %dma_start3A_67 = tpu.memref_slice %arg6[%dma_start3A_66] : memref<13312xi32, #tpu.memory_space<vmem>> -> memref<512xi32, #tpu.memory_space<vmem>>
    %dma_start3A_68 = tpu.memref_slice %arg2[%dma_start3A_61, %mul3A_2] : memref<26x16384xi32, #tpu.memory_space<hbm>> -> memref<1x512xi32, #tpu.memory_space<hbm>>
    %dma_start3A_69 = tpu.memref_squeeze %dma_start3A_68 : memref<1x512xi32, #tpu.memory_space<hbm>> -> memref<512xi32, #tpu.memory_space<hbm>>
    tpu.enqueue_dma source(%dma_start3A_69 : memref<512xi32, #tpu.memory_space<hbm>>) target(%dma_start3A_67 : memref<512xi32, #tpu.memory_space<vmem>>) target_semaphore(%arg15 : memref<!tpu.dma_semaphore, #tpu.memory_space<semaphore_mem>>)
    %dma_start3A_70 = arith.constant 7 : i32
    %dma_start3A_71 = arith.constant 3584 : i32
    %dma_start3A_72 = tpu.memref_slice %arg6[%dma_start3A_71] : memref<13312xi32, #tpu.memory_space<vmem>> -> memref<512xi32, #tpu.memory_space<vmem>>
    %dma_start3A_73 = tpu.memref_slice %arg2[%dma_start3A_70, %mul3A_2] : memref<26x16384xi32, #tpu.memory_space<hbm>> -> memref<1x512xi32, #tpu.memory_space<hbm>>
    %dma_start3A_74 = tpu.memref_squeeze %dma_start3A_73 : memref<1x512xi32, #tpu.memory_space<hbm>> -> memref<512xi32, #tpu.memory_space<hbm>>
    %dma_start3A_75 = arith.constant 3584 : i32
    %dma_start3A_76 = tpu.memref_slice %arg6[%dma_start3A_75] : memref<13312xi32, #tpu.memory_space<vmem>> -> memref<512xi32, #tpu.memory_space<vmem>>
    %dma_start3A_77 = tpu.memref_slice %arg2[%dma_start3A_70, %mul3A_2] : memref<26x16384xi32, #tpu.memory_space<hbm>> -> memref<1x512xi32, #tpu.memory_space<hbm>>
    %dma_start3A_78 = tpu.memref_squeeze %dma_start3A_77 : memref<1x512xi32, #tpu.memory_space<hbm>> -> memref<512xi32, #tpu.memory_space<hbm>>
    tpu.enqueue_dma source(%dma_start3A_78 : memref<512xi32, #tpu.memory_space<hbm>>) target(%dma_start3A_76 : memref<512xi32, #tpu.memory_space<vmem>>) target_semaphore(%arg15 : memref<!tpu.dma_semaphore, #tpu.memory_space<semaphore_mem>>)
    %dma_start3A_79 = arith.constant 8 : i32
    %dma_start3A_80 = arith.constant 4096 : i32
    %dma_start3A_81 = tpu.memref_slice %arg6[%dma_start3A_80] : memref<13312xi32, #tpu.memory_space<vmem>> -> memref<512xi32, #tpu.memory_space<vmem>>
    %dma_start3A_82 = tpu.memref_slice %arg2[%dma_start3A_79, %mul3A_2] : memref<26x16384xi32, #tpu.memory_space<hbm>> -> memref<1x512xi32, #tpu.memory_space<hbm>>
    %dma_start3A_83 = tpu.memref_squeeze %dma_start3A_82 : memref<1x512xi32, #tpu.memory_space<hbm>> -> memref<512xi32, #tpu.memory_space<hbm>>
    %dma_start3A_84 = arith.constant 4096 : i32
    %dma_start3A_85 = tpu.memref_slice %arg6[%dma_start3A_84] : memref<13312xi32, #tpu.memory_space<vmem>> -> memref<512xi32, #tpu.memory_space<vmem>>
    %dma_start3A_86 = tpu.memref_slice %arg2[%dma_start3A_79, %mul3A_2] : memref<26x16384xi32, #tpu.memory_space<hbm>> -> memref<1x512xi32, #tpu.memory_space<hbm>>
    %dma_start3A_87 = tpu.memref_squeeze %dma_start3A_86 : memref<1x512xi32, #tpu.memory_space<hbm>> -> memref<512xi32, #tpu.memory_space<hbm>>
    tpu.enqueue_dma source(%dma_start3A_87 : memref<512xi32, #tpu.memory_space<hbm>>) target(%dma_start3A_85 : memref<512xi32, #tpu.memory_space<vmem>>) target_semaphore(%arg15 : memref<!tpu.dma_semaphore, #tpu.memory_space<semaphore_mem>>)
    %dma_start3A_88 = arith.constant 9 : i32
    %dma_start3A_89 = arith.constant 4608 : i32
    %dma_start3A_90 = tpu.memref_slice %arg6[%dma_start3A_89] : memref<13312xi32, #tpu.memory_space<vmem>> -> memref<512xi32, #tpu.memory_space<vmem>>
    %dma_start3A_91 = tpu.memref_slice %arg2[%dma_start3A_88, %mul3A_2] : memref<26x16384xi32, #tpu.memory_space<hbm>> -> memref<1x512xi32, #tpu.memory_space<hbm>>
    %dma_start3A_92 = tpu.memref_squeeze %dma_start3A_91 : memref<1x512xi32, #tpu.memory_space<hbm>> -> memref<512xi32, #tpu.memory_space<hbm>>
    %dma_start3A_93 = arith.constant 4608 : i32
    %dma_start3A_94 = tpu.memref_slice %arg6[%dma_start3A_93] : memref<13312xi32, #tpu.memory_space<vmem>> -> memref<512xi32, #tpu.memory_space<vmem>>
    %dma_start3A_95 = tpu.memref_slice %arg2[%dma_start3A_88, %mul3A_2] : memref<26x16384xi32, #tpu.memory_space<hbm>> -> memref<1x512xi32, #tpu.memory_space<hbm>>
    %dma_start3A_96 = tpu.memref_squeeze %dma_start3A_95 : memref<1x512xi32, #tpu.memory_space<hbm>> -> memref<512xi32, #tpu.memory_space<hbm>>
    tpu.enqueue_dma source(%dma_start3A_96 : memref<512xi32, #tpu.memory_space<hbm>>) target(%dma_start3A_94 : memref<512xi32, #tpu.memory_space<vmem>>) target_semaphore(%arg15 : memref<!tpu.dma_semaphore, #tpu.memory_space<semaphore_mem>>)
    %dma_start3A_97 = arith.constant 10 : i32
    %dma_start3A_98 = arith.constant 5120 : i32
    %dma_start3A_99 = tpu.memref_slice %arg6[%dma_start3A_98] : memref<13312xi32, #tpu.memory_space<vmem>> -> memref<512xi32, #tpu.memory_space<vmem>>
    %dma_start3A_100 = tpu.memref_slice %arg2[%dma_start3A_97, %mul3A_2] : memref<26x16384xi32, #tpu.memory_space<hbm>> -> memref<1x512xi32, #tpu.memory_space<hbm>>
    %dma_start3A_101 = tpu.memref_squeeze %dma_start3A_100 : memref<1x512xi32, #tpu.memory_space<hbm>> -> memref<512xi32, #tpu.memory_space<hbm>>
    %dma_start3A_102 = arith.constant 5120 : i32
    %dma_start3A_103 = tpu.memref_slice %arg6[%dma_start3A_102] : memref<13312xi32, #tpu.memory_space<vmem>> -> memref<512xi32, #tpu.memory_space<vmem>>
    %dma_start3A_104 = tpu.memref_slice %arg2[%dma_start3A_97, %mul3A_2] : memref<26x16384xi32, #tpu.memory_space<hbm>> -> memref<1x512xi32, #tpu.memory_space<hbm>>
    %dma_start3A_105 = tpu.memref_squeeze %dma_start3A_104 : memref<1x512xi32, #tpu.memory_space<hbm>> -> memref<512xi32, #tpu.memory_space<hbm>>
    tpu.enqueue_dma source(%dma_start3A_105 : memref<512xi32, #tpu.memory_space<hbm>>) target(%dma_start3A_103 : memref<512xi32, #tpu.memory_space<vmem>>) target_semaphore(%arg15 : memref<!tpu.dma_semaphore, #tpu.memory_space<semaphore_mem>>)
    %dma_start3A_106 = arith.constant 11 : i32
    %dma_start3A_107 = arith.constant 5632 : i32
    %dma_start3A_108 = tpu.memref_slice %arg6[%dma_start3A_107] : memref<13312xi32, #tpu.memory_space<vmem>> -> memref<512xi32, #tpu.memory_space<vmem>>
    %dma_start3A_109 = tpu.memref_slice %arg2[%dma_start3A_106, %mul3A_2] : memref<26x16384xi32, #tpu.memory_space<hbm>> -> memref<1x512xi32, #tpu.memory_space<hbm>>
    %dma_start3A_110 = tpu.memref_squeeze %dma_start3A_109 : memref<1x512xi32, #tpu.memory_space<hbm>> -> memref<512xi32, #tpu.memory_space<hbm>>
    %dma_start3A_111 = arith.constant 5632 : i32
    %dma_start3A_112 = tpu.memref_slice %arg6[%dma_start3A_111] : memref<13312xi32, #tpu.memory_space<vmem>> -> memref<512xi32, #tpu.memory_space<vmem>>
    %dma_start3A_113 = tpu.memref_slice %arg2[%dma_start3A_106, %mul3A_2] : memref<26x16384xi32, #tpu.memory_space<hbm>> -> memref<1x512xi32, #tpu.memory_space<hbm>>
    %dma_start3A_114 = tpu.memref_squeeze %dma_start3A_113 : memref<1x512xi32, #tpu.memory_space<hbm>> -> memref<512xi32, #tpu.memory_space<hbm>>
    tpu.enqueue_dma source(%dma_start3A_114 : memref<512xi32, #tpu.memory_space<hbm>>) target(%dma_start3A_112 : memref<512xi32, #tpu.memory_space<vmem>>) target_semaphore(%arg15 : memref<!tpu.dma_semaphore, #tpu.memory_space<semaphore_mem>>)
    %dma_start3A_115 = arith.constant 12 : i32
    %dma_start3A_116 = arith.constant 6144 : i32
    %dma_start3A_117 = tpu.memref_slice %arg6[%dma_start3A_116] : memref<13312xi32, #tpu.memory_space<vmem>> -> memref<512xi32, #tpu.memory_space<vmem>>
    %dma_start3A_118 = tpu.memref_slice %arg2[%dma_start3A_115, %mul3A_2] : memref<26x16384xi32, #tpu.memory_space<hbm>> -> memref<1x512xi32, #tpu.memory_space<hbm>>
    %dma_start3A_119 = tpu.memref_squeeze %dma_start3A_118 : memref<1x512xi32, #tpu.memory_space<hbm>> -> memref<512xi32, #tpu.memory_space<hbm>>
    %dma_start3A_120 = arith.constant 6144 : i32
    %dma_start3A_121 = tpu.memref_slice %arg6[%dma_start3A_120] : memref<13312xi32, #tpu.memory_space<vmem>> -> memref<512xi32, #tpu.memory_space<vmem>>
    %dma_start3A_122 = tpu.memref_slice %arg2[%dma_start3A_115, %mul3A_2] : memref<26x16384xi32, #tpu.memory_space<hbm>> -> memref<1x512xi32, #tpu.memory_space<hbm>>
    %dma_start3A_123 = tpu.memref_squeeze %dma_start3A_122 : memref<1x512xi32, #tpu.memory_space<hbm>> -> memref<512xi32, #tpu.memory_space<hbm>>
    tpu.enqueue_dma source(%dma_start3A_123 : memref<512xi32, #tpu.memory_space<hbm>>) target(%dma_start3A_121 : memref<512xi32, #tpu.memory_space<vmem>>) target_semaphore(%arg15 : memref<!tpu.dma_semaphore, #tpu.memory_space<semaphore_mem>>)
    %dma_start3A_124 = arith.constant 13 : i32
    %dma_start3A_125 = arith.constant 6656 : i32
    %dma_start3A_126 = tpu.memref_slice %arg6[%dma_start3A_125] : memref<13312xi32, #tpu.memory_space<vmem>> -> memref<512xi32, #tpu.memory_space<vmem>>
    %dma_start3A_127 = tpu.memref_slice %arg2[%dma_start3A_124, %mul3A_2] : memref<26x16384xi32, #tpu.memory_space<hbm>> -> memref<1x512xi32, #tpu.memory_space<hbm>>
    %dma_start3A_128 = tpu.memref_squeeze %dma_start3A_127 : memref<1x512xi32, #tpu.memory_space<hbm>> -> memref<512xi32, #tpu.memory_space<hbm>>
    %dma_start3A_129 = arith.constant 6656 : i32
    %dma_start3A_130 = tpu.memref_slice %arg6[%dma_start3A_129] : memref<13312xi32, #tpu.memory_space<vmem>> -> memref<512xi32, #tpu.memory_space<vmem>>
    %dma_start3A_131 = tpu.memref_slice %arg2[%dma_start3A_124, %mul3A_2] : memref<26x16384xi32, #tpu.memory_space<hbm>> -> memref<1x512xi32, #tpu.memory_space<hbm>>
    %dma_start3A_132 = tpu.memref_squeeze %dma_start3A_131 : memref<1x512xi32, #tpu.memory_space<hbm>> -> memref<512xi32, #tpu.memory_space<hbm>>
    tpu.enqueue_dma source(%dma_start3A_132 : memref<512xi32, #tpu.memory_space<hbm>>) target(%dma_start3A_130 : memref<512xi32, #tpu.memory_space<vmem>>) target_semaphore(%arg15 : memref<!tpu.dma_semaphore, #tpu.memory_space<semaphore_mem>>)
    %dma_start3A_133 = arith.constant 14 : i32
    %dma_start3A_134 = arith.constant 7168 : i32
    %dma_start3A_135 = tpu.memref_slice %arg6[%dma_start3A_134] : memref<13312xi32, #tpu.memory_space<vmem>> -> memref<512xi32, #tpu.memory_space<vmem>>
    %dma_start3A_136 = tpu.memref_slice %arg2[%dma_start3A_133, %mul3A_2] : memref<26x16384xi32, #tpu.memory_space<hbm>> -> memref<1x512xi32, #tpu.memory_space<hbm>>
    %dma_start3A_137 = tpu.memref_squeeze %dma_start3A_136 : memref<1x512xi32, #tpu.memory_space<hbm>> -> memref<512xi32, #tpu.memory_space<hbm>>
    %dma_start3A_138 = arith.constant 7168 : i32
    %dma_start3A_139 = tpu.memref_slice %arg6[%dma_start3A_138] : memref<13312xi32, #tpu.memory_space<vmem>> -> memref<512xi32, #tpu.memory_space<vmem>>
    %dma_start3A_140 = tpu.memref_slice %arg2[%dma_start3A_133, %mul3A_2] : memref<26x16384xi32, #tpu.memory_space<hbm>> -> memref<1x512xi32, #tpu.memory_space<hbm>>
    %dma_start3A_141 = tpu.memref_squeeze %dma_start3A_140 : memref<1x512xi32, #tpu.memory_space<hbm>> -> memref<512xi32, #tpu.memory_space<hbm>>
    tpu.enqueue_dma source(%dma_start3A_141 : memref<512xi32, #tpu.memory_space<hbm>>) target(%dma_start3A_139 : memref<512xi32, #tpu.memory_space<vmem>>) target_semaphore(%arg15 : memref<!tpu.dma_semaphore, #tpu.memory_space<semaphore_mem>>)
    %dma_start3A_142 = arith.constant 15 : i32
    %dma_start3A_143 = arith.constant 7680 : i32
    %dma_start3A_144 = tpu.memref_slice %arg6[%dma_start3A_143] : memref<13312xi32, #tpu.memory_space<vmem>> -> memref<512xi32, #tpu.memory_space<vmem>>
    %dma_start3A_145 = tpu.memref_slice %arg2[%dma_start3A_142, %mul3A_2] : memref<26x16384xi32, #tpu.memory_space<hbm>> -> memref<1x512xi32, #tpu.memory_space<hbm>>
    %dma_start3A_146 = tpu.memref_squeeze %dma_start3A_145 : memref<1x512xi32, #tpu.memory_space<hbm>> -> memref<512xi32, #tpu.memory_space<hbm>>
    %dma_start3A_147 = arith.constant 7680 : i32
    %dma_start3A_148 = tpu.memref_slice %arg6[%dma_start3A_147] : memref<13312xi32, #tpu.memory_space<vmem>> -> memref<512xi32, #tpu.memory_space<vmem>>
    %dma_start3A_149 = tpu.memref_slice %arg2[%dma_start3A_142, %mul3A_2] : memref<26x16384xi32, #tpu.memory_space<hbm>> -> memref<1x512xi32, #tpu.memory_space<hbm>>
    %dma_start3A_150 = tpu.memref_squeeze %dma_start3A_149 : memref<1x512xi32, #tpu.memory_space<hbm>> -> memref<512xi32, #tpu.memory_space<hbm>>
    tpu.enqueue_dma source(%dma_start3A_150 : memref<512xi32, #tpu.memory_space<hbm>>) target(%dma_start3A_148 : memref<512xi32, #tpu.memory_space<vmem>>) target_semaphore(%arg15 : memref<!tpu.dma_semaphore, #tpu.memory_space<semaphore_mem>>)
    %dma_start3A_151 = arith.constant 16 : i32
    %dma_start3A_152 = arith.constant 8192 : i32
    %dma_start3A_153 = tpu.memref_slice %arg6[%dma_start3A_152] : memref<13312xi32, #tpu.memory_space<vmem>> -> memref<512xi32, #tpu.memory_space<vmem>>
    %dma_start3A_154 = tpu.memref_slice %arg2[%dma_start3A_151, %mul3A_2] : memref<26x16384xi32, #tpu.memory_space<hbm>> -> memref<1x512xi32, #tpu.memory_space<hbm>>
    %dma_start3A_155 = tpu.memref_squeeze %dma_start3A_154 : memref<1x512xi32, #tpu.memory_space<hbm>> -> memref<512xi32, #tpu.memory_space<hbm>>
    %dma_start3A_156 = arith.constant 8192 : i32
    %dma_start3A_157 = tpu.memref_slice %arg6[%dma_start3A_156] : memref<13312xi32, #tpu.memory_space<vmem>> -> memref<512xi32, #tpu.memory_space<vmem>>
    %dma_start3A_158 = tpu.memref_slice %arg2[%dma_start3A_151, %mul3A_2] : memref<26x16384xi32, #tpu.memory_space<hbm>> -> memref<1x512xi32, #tpu.memory_space<hbm>>
    %dma_start3A_159 = tpu.memref_squeeze %dma_start3A_158 : memref<1x512xi32, #tpu.memory_space<hbm>> -> memref<512xi32, #tpu.memory_space<hbm>>
    tpu.enqueue_dma source(%dma_start3A_159 : memref<512xi32, #tpu.memory_space<hbm>>) target(%dma_start3A_157 : memref<512xi32, #tpu.memory_space<vmem>>) target_semaphore(%arg15 : memref<!tpu.dma_semaphore, #tpu.memory_space<semaphore_mem>>)
    %dma_start3A_160 = arith.constant 17 : i32
    %dma_start3A_161 = arith.constant 8704 : i32
    %dma_start3A_162 = tpu.memref_slice %arg6[%dma_start3A_161] : memref<13312xi32, #tpu.memory_space<vmem>> -> memref<512xi32, #tpu.memory_space<vmem>>
    %dma_start3A_163 = tpu.memref_slice %arg2[%dma_start3A_160, %mul3A_2] : memref<26x16384xi32, #tpu.memory_space<hbm>> -> memref<1x512xi32, #tpu.memory_space<hbm>>
    %dma_start3A_164 = tpu.memref_squeeze %dma_start3A_163 : memref<1x512xi32, #tpu.memory_space<hbm>> -> memref<512xi32, #tpu.memory_space<hbm>>
    %dma_start3A_165 = arith.constant 8704 : i32
    %dma_start3A_166 = tpu.memref_slice %arg6[%dma_start3A_165] : memref<13312xi32, #tpu.memory_space<vmem>> -> memref<512xi32, #tpu.memory_space<vmem>>
    %dma_start3A_167 = tpu.memref_slice %arg2[%dma_start3A_160, %mul3A_2] : memref<26x16384xi32, #tpu.memory_space<hbm>> -> memref<1x512xi32, #tpu.memory_space<hbm>>
    %dma_start3A_168 = tpu.memref_squeeze %dma_start3A_167 : memref<1x512xi32, #tpu.memory_space<hbm>> -> memref<512xi32, #tpu.memory_space<hbm>>
    tpu.enqueue_dma source(%dma_start3A_168 : memref<512xi32, #tpu.memory_space<hbm>>) target(%dma_start3A_166 : memref<512xi32, #tpu.memory_space<vmem>>) target_semaphore(%arg15 : memref<!tpu.dma_semaphore, #tpu.memory_space<semaphore_mem>>)
    %dma_start3A_169 = arith.constant 18 : i32
    %dma_start3A_170 = arith.constant 9216 : i32
    %dma_start3A_171 = tpu.memref_slice %arg6[%dma_start3A_170] : memref<13312xi32, #tpu.memory_space<vmem>> -> memref<512xi32, #tpu.memory_space<vmem>>
    %dma_start3A_172 = tpu.memref_slice %arg2[%dma_start3A_169, %mul3A_2] : memref<26x16384xi32, #tpu.memory_space<hbm>> -> memref<1x512xi32, #tpu.memory_space<hbm>>
    %dma_start3A_173 = tpu.memref_squeeze %dma_start3A_172 : memref<1x512xi32, #tpu.memory_space<hbm>> -> memref<512xi32, #tpu.memory_space<hbm>>
    %dma_start3A_174 = arith.constant 9216 : i32
    %dma_start3A_175 = tpu.memref_slice %arg6[%dma_start3A_174] : memref<13312xi32, #tpu.memory_space<vmem>> -> memref<512xi32, #tpu.memory_space<vmem>>
    %dma_start3A_176 = tpu.memref_slice %arg2[%dma_start3A_169, %mul3A_2] : memref<26x16384xi32, #tpu.memory_space<hbm>> -> memref<1x512xi32, #tpu.memory_space<hbm>>
    %dma_start3A_177 = tpu.memref_squeeze %dma_start3A_176 : memref<1x512xi32, #tpu.memory_space<hbm>> -> memref<512xi32, #tpu.memory_space<hbm>>
    tpu.enqueue_dma source(%dma_start3A_177 : memref<512xi32, #tpu.memory_space<hbm>>) target(%dma_start3A_175 : memref<512xi32, #tpu.memory_space<vmem>>) target_semaphore(%arg15 : memref<!tpu.dma_semaphore, #tpu.memory_space<semaphore_mem>>)
    %dma_start3A_178 = arith.constant 19 : i32
    %dma_start3A_179 = arith.constant 9728 : i32
    %dma_start3A_180 = tpu.memref_slice %arg6[%dma_start3A_179] : memref<13312xi32, #tpu.memory_space<vmem>> -> memref<512xi32, #tpu.memory_space<vmem>>
    %dma_start3A_181 = tpu.memref_slice %arg2[%dma_start3A_178, %mul3A_2] : memref<26x16384xi32, #tpu.memory_space<hbm>> -> memref<1x512xi32, #tpu.memory_space<hbm>>
    %dma_start3A_182 = tpu.memref_squeeze %dma_start3A_181 : memref<1x512xi32, #tpu.memory_space<hbm>> -> memref<512xi32, #tpu.memory_space<hbm>>
    %dma_start3A_183 = arith.constant 9728 : i32
    %dma_start3A_184 = tpu.memref_slice %arg6[%dma_start3A_183] : memref<13312xi32, #tpu.memory_space<vmem>> -> memref<512xi32, #tpu.memory_space<vmem>>
    %dma_start3A_185 = tpu.memref_slice %arg2[%dma_start3A_178, %mul3A_2] : memref<26x16384xi32, #tpu.memory_space<hbm>> -> memref<1x512xi32, #tpu.memory_space<hbm>>
    %dma_start3A_186 = tpu.memref_squeeze %dma_start3A_185 : memref<1x512xi32, #tpu.memory_space<hbm>> -> memref<512xi32, #tpu.memory_space<hbm>>
    tpu.enqueue_dma source(%dma_start3A_186 : memref<512xi32, #tpu.memory_space<hbm>>) target(%dma_start3A_184 : memref<512xi32, #tpu.memory_space<vmem>>) target_semaphore(%arg15 : memref<!tpu.dma_semaphore, #tpu.memory_space<semaphore_mem>>)
    %dma_start3A_187 = arith.constant 20 : i32
    %dma_start3A_188 = arith.constant 10240 : i32
    %dma_start3A_189 = tpu.memref_slice %arg6[%dma_start3A_188] : memref<13312xi32, #tpu.memory_space<vmem>> -> memref<512xi32, #tpu.memory_space<vmem>>
    %dma_start3A_190 = tpu.memref_slice %arg2[%dma_start3A_187, %mul3A_2] : memref<26x16384xi32, #tpu.memory_space<hbm>> -> memref<1x512xi32, #tpu.memory_space<hbm>>
    %dma_start3A_191 = tpu.memref_squeeze %dma_start3A_190 : memref<1x512xi32, #tpu.memory_space<hbm>> -> memref<512xi32, #tpu.memory_space<hbm>>
    %dma_start3A_192 = arith.constant 10240 : i32
    %dma_start3A_193 = tpu.memref_slice %arg6[%dma_start3A_192] : memref<13312xi32, #tpu.memory_space<vmem>> -> memref<512xi32, #tpu.memory_space<vmem>>
    %dma_start3A_194 = tpu.memref_slice %arg2[%dma_start3A_187, %mul3A_2] : memref<26x16384xi32, #tpu.memory_space<hbm>> -> memref<1x512xi32, #tpu.memory_space<hbm>>
    %dma_start3A_195 = tpu.memref_squeeze %dma_start3A_194 : memref<1x512xi32, #tpu.memory_space<hbm>> -> memref<512xi32, #tpu.memory_space<hbm>>
    tpu.enqueue_dma source(%dma_start3A_195 : memref<512xi32, #tpu.memory_space<hbm>>) target(%dma_start3A_193 : memref<512xi32, #tpu.memory_space<vmem>>) target_semaphore(%arg15 : memref<!tpu.dma_semaphore, #tpu.memory_space<semaphore_mem>>)
    %dma_start3A_196 = arith.constant 21 : i32
    %dma_start3A_197 = arith.constant 10752 : i32
    %dma_start3A_198 = tpu.memref_slice %arg6[%dma_start3A_197] : memref<13312xi32, #tpu.memory_space<vmem>> -> memref<512xi32, #tpu.memory_space<vmem>>
    %dma_start3A_199 = tpu.memref_slice %arg2[%dma_start3A_196, %mul3A_2] : memref<26x16384xi32, #tpu.memory_space<hbm>> -> memref<1x512xi32, #tpu.memory_space<hbm>>
    %dma_start3A_200 = tpu.memref_squeeze %dma_start3A_199 : memref<1x512xi32, #tpu.memory_space<hbm>> -> memref<512xi32, #tpu.memory_space<hbm>>
    %dma_start3A_201 = arith.constant 10752 : i32
    %dma_start3A_202 = tpu.memref_slice %arg6[%dma_start3A_201] : memref<13312xi32, #tpu.memory_space<vmem>> -> memref<512xi32, #tpu.memory_space<vmem>>
    %dma_start3A_203 = tpu.memref_slice %arg2[%dma_start3A_196, %mul3A_2] : memref<26x16384xi32, #tpu.memory_space<hbm>> -> memref<1x512xi32, #tpu.memory_space<hbm>>
    %dma_start3A_204 = tpu.memref_squeeze %dma_start3A_203 : memref<1x512xi32, #tpu.memory_space<hbm>> -> memref<512xi32, #tpu.memory_space<hbm>>
    tpu.enqueue_dma source(%dma_start3A_204 : memref<512xi32, #tpu.memory_space<hbm>>) target(%dma_start3A_202 : memref<512xi32, #tpu.memory_space<vmem>>) target_semaphore(%arg15 : memref<!tpu.dma_semaphore, #tpu.memory_space<semaphore_mem>>)
    %dma_start3A_205 = arith.constant 22 : i32
    %dma_start3A_206 = arith.constant 11264 : i32
    %dma_start3A_207 = tpu.memref_slice %arg6[%dma_start3A_206] : memref<13312xi32, #tpu.memory_space<vmem>> -> memref<512xi32, #tpu.memory_space<vmem>>
    %dma_start3A_208 = tpu.memref_slice %arg2[%dma_start3A_205, %mul3A_2] : memref<26x16384xi32, #tpu.memory_space<hbm>> -> memref<1x512xi32, #tpu.memory_space<hbm>>
    %dma_start3A_209 = tpu.memref_squeeze %dma_start3A_208 : memref<1x512xi32, #tpu.memory_space<hbm>> -> memref<512xi32, #tpu.memory_space<hbm>>
    %dma_start3A_210 = arith.constant 11264 : i32
    %dma_start3A_211 = tpu.memref_slice %arg6[%dma_start3A_210] : memref<13312xi32, #tpu.memory_space<vmem>> -> memref<512xi32, #tpu.memory_space<vmem>>
    %dma_start3A_212 = tpu.memref_slice %arg2[%dma_start3A_205, %mul3A_2] : memref<26x16384xi32, #tpu.memory_space<hbm>> -> memref<1x512xi32, #tpu.memory_space<hbm>>
    %dma_start3A_213 = tpu.memref_squeeze %dma_start3A_212 : memref<1x512xi32, #tpu.memory_space<hbm>> -> memref<512xi32, #tpu.memory_space<hbm>>
    tpu.enqueue_dma source(%dma_start3A_213 : memref<512xi32, #tpu.memory_space<hbm>>) target(%dma_start3A_211 : memref<512xi32, #tpu.memory_space<vmem>>) target_semaphore(%arg15 : memref<!tpu.dma_semaphore, #tpu.memory_space<semaphore_mem>>)
    %dma_start3A_214 = arith.constant 23 : i32
    %dma_start3A_215 = arith.constant 11776 : i32
    %dma_start3A_216 = tpu.memref_slice %arg6[%dma_start3A_215] : memref<13312xi32, #tpu.memory_space<vmem>> -> memref<512xi32, #tpu.memory_space<vmem>>
    %dma_start3A_217 = tpu.memref_slice %arg2[%dma_start3A_214, %mul3A_2] : memref<26x16384xi32, #tpu.memory_space<hbm>> -> memref<1x512xi32, #tpu.memory_space<hbm>>
    %dma_start3A_218 = tpu.memref_squeeze %dma_start3A_217 : memref<1x512xi32, #tpu.memory_space<hbm>> -> memref<512xi32, #tpu.memory_space<hbm>>
    %dma_start3A_219 = arith.constant 11776 : i32
    %dma_start3A_220 = tpu.memref_slice %arg6[%dma_start3A_219] : memref<13312xi32, #tpu.memory_space<vmem>> -> memref<512xi32, #tpu.memory_space<vmem>>
    %dma_start3A_221 = tpu.memref_slice %arg2[%dma_start3A_214, %mul3A_2] : memref<26x16384xi32, #tpu.memory_space<hbm>> -> memref<1x512xi32, #tpu.memory_space<hbm>>
    %dma_start3A_222 = tpu.memref_squeeze %dma_start3A_221 : memref<1x512xi32, #tpu.memory_space<hbm>> -> memref<512xi32, #tpu.memory_space<hbm>>
    tpu.enqueue_dma source(%dma_start3A_222 : memref<512xi32, #tpu.memory_space<hbm>>) target(%dma_start3A_220 : memref<512xi32, #tpu.memory_space<vmem>>) target_semaphore(%arg15 : memref<!tpu.dma_semaphore, #tpu.memory_space<semaphore_mem>>)
    %dma_start3A_223 = arith.constant 24 : i32
    %dma_start3A_224 = arith.constant 12288 : i32
    %dma_start3A_225 = tpu.memref_slice %arg6[%dma_start3A_224] : memref<13312xi32, #tpu.memory_space<vmem>> -> memref<512xi32, #tpu.memory_space<vmem>>
    %dma_start3A_226 = tpu.memref_slice %arg2[%dma_start3A_223, %mul3A_2] : memref<26x16384xi32, #tpu.memory_space<hbm>> -> memref<1x512xi32, #tpu.memory_space<hbm>>
    %dma_start3A_227 = tpu.memref_squeeze %dma_start3A_226 : memref<1x512xi32, #tpu.memory_space<hbm>> -> memref<512xi32, #tpu.memory_space<hbm>>
    %dma_start3A_228 = arith.constant 12288 : i32
    %dma_start3A_229 = tpu.memref_slice %arg6[%dma_start3A_228] : memref<13312xi32, #tpu.memory_space<vmem>> -> memref<512xi32, #tpu.memory_space<vmem>>
    %dma_start3A_230 = tpu.memref_slice %arg2[%dma_start3A_223, %mul3A_2] : memref<26x16384xi32, #tpu.memory_space<hbm>> -> memref<1x512xi32, #tpu.memory_space<hbm>>
    %dma_start3A_231 = tpu.memref_squeeze %dma_start3A_230 : memref<1x512xi32, #tpu.memory_space<hbm>> -> memref<512xi32, #tpu.memory_space<hbm>>
    tpu.enqueue_dma source(%dma_start3A_231 : memref<512xi32, #tpu.memory_space<hbm>>) target(%dma_start3A_229 : memref<512xi32, #tpu.memory_space<vmem>>) target_semaphore(%arg15 : memref<!tpu.dma_semaphore, #tpu.memory_space<semaphore_mem>>)
    %dma_start3A_232 = arith.constant 25 : i32
    %dma_start3A_233 = arith.constant 12800 : i32
    %dma_start3A_234 = tpu.memref_slice %arg6[%dma_start3A_233] : memref<13312xi32, #tpu.memory_space<vmem>> -> memref<512xi32, #tpu.memory_space<vmem>>
    %dma_start3A_235 = tpu.memref_slice %arg2[%dma_start3A_232, %mul3A_2] : memref<26x16384xi32, #tpu.memory_space<hbm>> -> memref<1x512xi32, #tpu.memory_space<hbm>>
    %dma_start3A_236 = tpu.memref_squeeze %dma_start3A_235 : memref<1x512xi32, #tpu.memory_space<hbm>> -> memref<512xi32, #tpu.memory_space<hbm>>
    %dma_start3A_237 = arith.constant 12800 : i32
    %dma_start3A_238 = tpu.memref_slice %arg6[%dma_start3A_237] : memref<13312xi32, #tpu.memory_space<vmem>> -> memref<512xi32, #tpu.memory_space<vmem>>
    %dma_start3A_239 = tpu.memref_slice %arg2[%dma_start3A_232, %mul3A_2] : memref<26x16384xi32, #tpu.memory_space<hbm>> -> memref<1x512xi32, #tpu.memory_space<hbm>>
    %dma_start3A_240 = tpu.memref_squeeze %dma_start3A_239 : memref<1x512xi32, #tpu.memory_space<hbm>> -> memref<512xi32, #tpu.memory_space<hbm>>
    tpu.enqueue_dma source(%dma_start3A_240 : memref<512xi32, #tpu.memory_space<hbm>>) target(%dma_start3A_238 : memref<512xi32, #tpu.memory_space<vmem>>) target_semaphore(%arg15 : memref<!tpu.dma_semaphore, #tpu.memory_space<semaphore_mem>>)
    %mul3A_241 = arith.constant 65000 : i32
    %mul3A_242 = arith.muli %arg1, %mul3A_241 : i32
    %add3A_243 = arith.constant 0 : i32
    %add3A_244 = arith.addi %mul3A_242, %add3A_243 : i32
    %dma_start3A_245 = arith.constant 0 : i32
    %dma_start3A_246 = arith.constant 0 : i32
    %dma_start3A_247 = tpu.memref_slice %arg3[%dma_start3A_245, %dma_start3A_246] : memref<1x1040000xf32, #tpu.memory_space<hbm>> -> memref<1x1040000xf32, #tpu.memory_space<hbm>>
    %dma_start3A_248 = tpu.memref_squeeze %dma_start3A_247 : memref<1x1040000xf32, #tpu.memory_space<hbm>> -> memref<1040000xf32, #tpu.memory_space<hbm>>
    %dma_start3A_249 = tpu.memref_slice %dma_start3A_248[%add3A_244] : memref<1040000xf32, #tpu.memory_space<hbm>> -> memref<13000xf32, #tpu.memory_space<hbm>>
    %dma_start3A_250 = arith.constant 0 : i32
    %dma_start3A_251 = tpu.memref_slice %arg3[%dma_start3A_245, %dma_start3A_250] : memref<1x1040000xf32, #tpu.memory_space<hbm>> -> memref<1x1040000xf32, #tpu.memory_space<hbm>>
    %dma_start3A_252 = tpu.memref_squeeze %dma_start3A_251 : memref<1x1040000xf32, #tpu.memory_space<hbm>> -> memref<1040000xf32, #tpu.memory_space<hbm>>
    %dma_start3A_253 = tpu.memref_slice %dma_start3A_252[%add3A_244] : memref<1040000xf32, #tpu.memory_space<hbm>> -> memref<13000xf32, #tpu.memory_space<hbm>>
    tpu.enqueue_dma source(%dma_start3A_253 : memref<13000xf32, #tpu.memory_space<hbm>>) target(%arg10 : memref<13000xf32, #tpu.memory_space<vmem>>) target_semaphore(%arg13 : memref<!tpu.dma_semaphore, #tpu.memory_space<semaphore_mem>>)
    %dma_wait3A = arith.constant 0 : i32
    %dma_wait3A_254 = arith.constant 0 : i32
    %dma_wait3A_255 = tpu.memref_slice %arg3[%dma_wait3A, %dma_wait3A_254] : memref<1x1040000xf32, #tpu.memory_space<hbm>> -> memref<1x1040000xf32, #tpu.memory_space<hbm>>
    %dma_wait3A_256 = tpu.memref_squeeze %dma_wait3A_255 : memref<1x1040000xf32, #tpu.memory_space<hbm>> -> memref<1040000xf32, #tpu.memory_space<hbm>>
    %dma_wait3A_257 = tpu.memref_slice %dma_wait3A_256[%add3A_244] : memref<1040000xf32, #tpu.memory_space<hbm>> -> memref<13000xf32, #tpu.memory_space<hbm>>
    %dma_wait3A_258 = arith.constant 0 : i32
    %dma_wait3A_259 = tpu.memref_slice %arg3[%dma_wait3A, %dma_wait3A_258] : memref<1x1040000xf32, #tpu.memory_space<hbm>> -> memref<1x1040000xf32, #tpu.memory_space<hbm>>
    %dma_wait3A_260 = tpu.memref_squeeze %dma_wait3A_259 : memref<1x1040000xf32, #tpu.memory_space<hbm>> -> memref<1040000xf32, #tpu.memory_space<hbm>>
    %dma_wait3A_261 = tpu.memref_slice %dma_wait3A_260[%add3A_244] : memref<1040000xf32, #tpu.memory_space<hbm>> -> memref<13000xf32, #tpu.memory_space<hbm>>
    tpu.wait_dma2 semaphore(%arg13 : memref<!tpu.dma_semaphore, #tpu.memory_space<semaphore_mem>>) src(%dma_wait3A_261 : memref<13000xf32, #tpu.memory_space<hbm>>) dst(%arg10 : memref<13000xf32, #tpu.memory_space<vmem>>)
    %dma_start3A_262 = tpu.memref_slice %arg12[%add3A_244] : memref<1040000xf32, #tpu.memory_space<vmem_shared>> -> memref<13000xf32, #tpu.memory_space<vmem_shared>>
    %dma_start3A_263 = tpu.memref_slice %arg12[%add3A_244] : memref<1040000xf32, #tpu.memory_space<vmem_shared>> -> memref<13000xf32, #tpu.memory_space<vmem_shared>>
    tpu.enqueue_dma source(%arg10 : memref<13000xf32, #tpu.memory_space<vmem>>) target(%dma_start3A_263 : memref<13000xf32, #tpu.memory_space<vmem_shared>>) target_semaphore(%arg14 : memref<!tpu.dma_semaphore, #tpu.memory_space<semaphore_mem>>)
    %mul3A_264 = arith.constant 65000 : i32
    %mul3A_265 = arith.muli %arg1, %mul3A_264 : i32
    %add3A_266 = arith.constant 13000 : i32
    %add3A_267 = arith.addi %mul3A_265, %add3A_266 : i32
    %dma_start3A_268 = arith.constant 0 : i32
    %dma_start3A_269 = arith.constant 0 : i32
    %dma_start3A_270 = tpu.memref_slice %arg3[%dma_start3A_268, %dma_start3A_269] : memref<1x1040000xf32, #tpu.memory_space<hbm>> -> memref<1x1040000xf32, #tpu.memory_space<hbm>>
    %dma_start3A_271 = tpu.memref_squeeze %dma_start3A_270 : memref<1x1040000xf32, #tpu.memory_space<hbm>> -> memref<1040000xf32, #tpu.memory_space<hbm>>
    %dma_start3A_272 = tpu.memref_slice %dma_start3A_271[%add3A_267] : memref<1040000xf32, #tpu.memory_space<hbm>> -> memref<13000xf32, #tpu.memory_space<hbm>>
    %dma_start3A_273 = arith.constant 0 : i32
    %dma_start3A_274 = tpu.memref_slice %arg3[%dma_start3A_268, %dma_start3A_273] : memref<1x1040000xf32, #tpu.memory_space<hbm>> -> memref<1x1040000xf32, #tpu.memory_space<hbm>>
    %dma_start3A_275 = tpu.memref_squeeze %dma_start3A_274 : memref<1x1040000xf32, #tpu.memory_space<hbm>> -> memref<1040000xf32, #tpu.memory_space<hbm>>
    %dma_start3A_276 = tpu.memref_slice %dma_start3A_275[%add3A_267] : memref<1040000xf32, #tpu.memory_space<hbm>> -> memref<13000xf32, #tpu.memory_space<hbm>>
    tpu.enqueue_dma source(%dma_start3A_276 : memref<13000xf32, #tpu.memory_space<hbm>>) target(%arg11 : memref<13000xf32, #tpu.memory_space<vmem>>) target_semaphore(%arg13 : memref<!tpu.dma_semaphore, #tpu.memory_space<semaphore_mem>>)
    %dma_wait3A_277 = arith.constant 0 : i32
    %dma_wait3A_278 = arith.constant 0 : i32
    %dma_wait3A_279 = tpu.memref_slice %arg3[%dma_wait3A_277, %dma_wait3A_278] : memref<1x1040000xf32, #tpu.memory_space<hbm>> -> memref<1x1040000xf32, #tpu.memory_space<hbm>>
    %dma_wait3A_280 = tpu.memref_squeeze %dma_wait3A_279 : memref<1x1040000xf32, #tpu.memory_space<hbm>> -> memref<1040000xf32, #tpu.memory_space<hbm>>
    %dma_wait3A_281 = tpu.memref_slice %dma_wait3A_280[%add3A_267] : memref<1040000xf32, #tpu.memory_space<hbm>> -> memref<13000xf32, #tpu.memory_space<hbm>>
    %dma_wait3A_282 = arith.constant 0 : i32
    %dma_wait3A_283 = tpu.memref_slice %arg3[%dma_wait3A_277, %dma_wait3A_282] : memref<1x1040000xf32, #tpu.memory_space<hbm>> -> memref<1x1040000xf32, #tpu.memory_space<hbm>>
    %dma_wait3A_284 = tpu.memref_squeeze %dma_wait3A_283 : memref<1x1040000xf32, #tpu.memory_space<hbm>> -> memref<1040000xf32, #tpu.memory_space<hbm>>
    %dma_wait3A_285 = tpu.memref_slice %dma_wait3A_284[%add3A_267] : memref<1040000xf32, #tpu.memory_space<hbm>> -> memref<13000xf32, #tpu.memory_space<hbm>>
    tpu.wait_dma2 semaphore(%arg13 : memref<!tpu.dma_semaphore, #tpu.memory_space<semaphore_mem>>) src(%dma_wait3A_285 : memref<13000xf32, #tpu.memory_space<hbm>>) dst(%arg11 : memref<13000xf32, #tpu.memory_space<vmem>>)
    %dma_start3A_286 = tpu.memref_slice %arg12[%add3A_267] : memref<1040000xf32, #tpu.memory_space<vmem_shared>> -> memref<13000xf32, #tpu.memory_space<vmem_shared>>
    %dma_start3A_287 = tpu.memref_slice %arg12[%add3A_267] : memref<1040000xf32, #tpu.memory_space<vmem_shared>> -> memref<13000xf32, #tpu.memory_space<vmem_shared>>
    tpu.enqueue_dma source(%arg11 : memref<13000xf32, #tpu.memory_space<vmem>>) target(%dma_start3A_287 : memref<13000xf32, #tpu.memory_space<vmem_shared>>) target_semaphore(%arg14 : memref<!tpu.dma_semaphore, #tpu.memory_space<semaphore_mem>>)
    %mul3A_288 = arith.constant 65000 : i32
    %mul3A_289 = arith.muli %arg1, %mul3A_288 : i32
    %add3A_290 = arith.constant 26000 : i32
    %add3A_291 = arith.addi %mul3A_289, %add3A_290 : i32
    %dma_wait3A_292 = tpu.memref_slice %arg12[%add3A_244] : memref<1040000xf32, #tpu.memory_space<vmem_shared>> -> memref<13000xf32, #tpu.memory_space<vmem_shared>>
    %dma_wait3A_293 = tpu.memref_slice %arg12[%add3A_244] : memref<1040000xf32, #tpu.memory_space<vmem_shared>> -> memref<13000xf32, #tpu.memory_space<vmem_shared>>
    tpu.wait_dma2 semaphore(%arg14 : memref<!tpu.dma_semaphore, #tpu.memory_space<semaphore_mem>>) src(%arg10 : memref<13000xf32, #tpu.memory_space<vmem>>) dst(%dma_wait3A_293 : memref<13000xf32, #tpu.memory_space<vmem_shared>>)
    %dma_start3A_294 = arith.constant 0 : i32
    %dma_start3A_295 = arith.constant 0 : i32
    %dma_start3A_296 = tpu.memref_slice %arg3[%dma_start3A_294, %dma_start3A_295] : memref<1x1040000xf32, #tpu.memory_space<hbm>> -> memref<1x1040000xf32, #tpu.memory_space<hbm>>
    %dma_start3A_297 = tpu.memref_squeeze %dma_start3A_296 : memref<1x1040000xf32, #tpu.memory_space<hbm>> -> memref<1040000xf32, #tpu.memory_space<hbm>>
    %dma_start3A_298 = tpu.memref_slice %dma_start3A_297[%add3A_291] : memref<1040000xf32, #tpu.memory_space<hbm>> -> memref<13000xf32, #tpu.memory_space<hbm>>
    %dma_start3A_299 = arith.constant 0 : i32
    %dma_start3A_300 = tpu.memref_slice %arg3[%dma_start3A_294, %dma_start3A_299] : memref<1x1040000xf32, #tpu.memory_space<hbm>> -> memref<1x1040000xf32, #tpu.memory_space<hbm>>
    %dma_start3A_301 = tpu.memref_squeeze %dma_start3A_300 : memref<1x1040000xf32, #tpu.memory_space<hbm>> -> memref<1040000xf32, #tpu.memory_space<hbm>>
    %dma_start3A_302 = tpu.memref_slice %dma_start3A_301[%add3A_291] : memref<1040000xf32, #tpu.memory_space<hbm>> -> memref<13000xf32, #tpu.memory_space<hbm>>
    tpu.enqueue_dma source(%dma_start3A_302 : memref<13000xf32, #tpu.memory_space<hbm>>) target(%arg10 : memref<13000xf32, #tpu.memory_space<vmem>>) target_semaphore(%arg13 : memref<!tpu.dma_semaphore, #tpu.memory_space<semaphore_mem>>)
    %dma_wait3A_303 = arith.constant 0 : i32
    %dma_wait3A_304 = arith.constant 0 : i32
    %dma_wait3A_305 = tpu.memref_slice %arg3[%dma_wait3A_303, %dma_wait3A_304] : memref<1x1040000xf32, #tpu.memory_space<hbm>> -> memref<1x1040000xf32, #tpu.memory_space<hbm>>
    %dma_wait3A_306 = tpu.memref_squeeze %dma_wait3A_305 : memref<1x1040000xf32, #tpu.memory_space<hbm>> -> memref<1040000xf32, #tpu.memory_space<hbm>>
    %dma_wait3A_307 = tpu.memref_slice %dma_wait3A_306[%add3A_291] : memref<1040000xf32, #tpu.memory_space<hbm>> -> memref<13000xf32, #tpu.memory_space<hbm>>
    %dma_wait3A_308 = arith.constant 0 : i32
    %dma_wait3A_309 = tpu.memref_slice %arg3[%dma_wait3A_303, %dma_wait3A_308] : memref<1x1040000xf32, #tpu.memory_space<hbm>> -> memref<1x1040000xf32, #tpu.memory_space<hbm>>
    %dma_wait3A_310 = tpu.memref_squeeze %dma_wait3A_309 : memref<1x1040000xf32, #tpu.memory_space<hbm>> -> memref<1040000xf32, #tpu.memory_space<hbm>>
    %dma_wait3A_311 = tpu.memref_slice %dma_wait3A_310[%add3A_291] : memref<1040000xf32, #tpu.memory_space<hbm>> -> memref<13000xf32, #tpu.memory_space<hbm>>
    tpu.wait_dma2 semaphore(%arg13 : memref<!tpu.dma_semaphore, #tpu.memory_space<semaphore_mem>>) src(%dma_wait3A_311 : memref<13000xf32, #tpu.memory_space<hbm>>) dst(%arg10 : memref<13000xf32, #tpu.memory_space<vmem>>)
    %dma_start3A_312 = tpu.memref_slice %arg12[%add3A_291] : memref<1040000xf32, #tpu.memory_space<vmem_shared>> -> memref<13000xf32, #tpu.memory_space<vmem_shared>>
    %dma_start3A_313 = tpu.memref_slice %arg12[%add3A_291] : memref<1040000xf32, #tpu.memory_space<vmem_shared>> -> memref<13000xf32, #tpu.memory_space<vmem_shared>>
    tpu.enqueue_dma source(%arg10 : memref<13000xf32, #tpu.memory_space<vmem>>) target(%dma_start3A_313 : memref<13000xf32, #tpu.memory_space<vmem_shared>>) target_semaphore(%arg14 : memref<!tpu.dma_semaphore, #tpu.memory_space<semaphore_mem>>)
    %mul3A_314 = arith.constant 65000 : i32
    %mul3A_315 = arith.muli %arg1, %mul3A_314 : i32
    %add3A_316 = arith.constant 39000 : i32
    %add3A_317 = arith.addi %mul3A_315, %add3A_316 : i32
    %dma_wait3A_318 = tpu.memref_slice %arg12[%add3A_267] : memref<1040000xf32, #tpu.memory_space<vmem_shared>> -> memref<13000xf32, #tpu.memory_space<vmem_shared>>
    %dma_wait3A_319 = tpu.memref_slice %arg12[%add3A_267] : memref<1040000xf32, #tpu.memory_space<vmem_shared>> -> memref<13000xf32, #tpu.memory_space<vmem_shared>>
    tpu.wait_dma2 semaphore(%arg14 : memref<!tpu.dma_semaphore, #tpu.memory_space<semaphore_mem>>) src(%arg11 : memref<13000xf32, #tpu.memory_space<vmem>>) dst(%dma_wait3A_319 : memref<13000xf32, #tpu.memory_space<vmem_shared>>)
    %dma_start3A_320 = arith.constant 0 : i32
    %dma_start3A_321 = arith.constant 0 : i32
    %dma_start3A_322 = tpu.memref_slice %arg3[%dma_start3A_320, %dma_start3A_321] : memref<1x1040000xf32, #tpu.memory_space<hbm>> -> memref<1x1040000xf32, #tpu.memory_space<hbm>>
    %dma_start3A_323 = tpu.memref_squeeze %dma_start3A_322 : memref<1x1040000xf32, #tpu.memory_space<hbm>> -> memref<1040000xf32, #tpu.memory_space<hbm>>
    %dma_start3A_324 = tpu.memref_slice %dma_start3A_323[%add3A_317] : memref<1040000xf32, #tpu.memory_space<hbm>> -> memref<13000xf32, #tpu.memory_space<hbm>>
    %dma_start3A_325 = arith.constant 0 : i32
    %dma_start3A_326 = tpu.memref_slice %arg3[%dma_start3A_320, %dma_start3A_325] : memref<1x1040000xf32, #tpu.memory_space<hbm>> -> memref<1x1040000xf32, #tpu.memory_space<hbm>>
    %dma_start3A_327 = tpu.memref_squeeze %dma_start3A_326 : memref<1x1040000xf32, #tpu.memory_space<hbm>> -> memref<1040000xf32, #tpu.memory_space<hbm>>
    %dma_start3A_328 = tpu.memref_slice %dma_start3A_327[%add3A_317] : memref<1040000xf32, #tpu.memory_space<hbm>> -> memref<13000xf32, #tpu.memory_space<hbm>>
    tpu.enqueue_dma source(%dma_start3A_328 : memref<13000xf32, #tpu.memory_space<hbm>>) target(%arg11 : memref<13000xf32, #tpu.memory_space<vmem>>) target_semaphore(%arg13 : memref<!tpu.dma_semaphore, #tpu.memory_space<semaphore_mem>>)
    %dma_wait3A_329 = arith.constant 0 : i32
    %dma_wait3A_330 = arith.constant 0 : i32
    %dma_wait3A_331 = tpu.memref_slice %arg3[%dma_wait3A_329, %dma_wait3A_330] : memref<1x1040000xf32, #tpu.memory_space<hbm>> -> memref<1x1040000xf32, #tpu.memory_space<hbm>>
    %dma_wait3A_332 = tpu.memref_squeeze %dma_wait3A_331 : memref<1x1040000xf32, #tpu.memory_space<hbm>> -> memref<1040000xf32, #tpu.memory_space<hbm>>
    %dma_wait3A_333 = tpu.memref_slice %dma_wait3A_332[%add3A_317] : memref<1040000xf32, #tpu.memory_space<hbm>> -> memref<13000xf32, #tpu.memory_space<hbm>>
    %dma_wait3A_334 = arith.constant 0 : i32
    %dma_wait3A_335 = tpu.memref_slice %arg3[%dma_wait3A_329, %dma_wait3A_334] : memref<1x1040000xf32, #tpu.memory_space<hbm>> -> memref<1x1040000xf32, #tpu.memory_space<hbm>>
    %dma_wait3A_336 = tpu.memref_squeeze %dma_wait3A_335 : memref<1x1040000xf32, #tpu.memory_space<hbm>> -> memref<1040000xf32, #tpu.memory_space<hbm>>
    %dma_wait3A_337 = tpu.memref_slice %dma_wait3A_336[%add3A_317] : memref<1040000xf32, #tpu.memory_space<hbm>> -> memref<13000xf32, #tpu.memory_space<hbm>>
    tpu.wait_dma2 semaphore(%arg13 : memref<!tpu.dma_semaphore, #tpu.memory_space<semaphore_mem>>) src(%dma_wait3A_337 : memref<13000xf32, #tpu.memory_space<hbm>>) dst(%arg11 : memref<13000xf32, #tpu.memory_space<vmem>>)
    %dma_start3A_338 = tpu.memref_slice %arg12[%add3A_317] : memref<1040000xf32, #tpu.memory_space<vmem_shared>> -> memref<13000xf32, #tpu.memory_space<vmem_shared>>
    %dma_start3A_339 = tpu.memref_slice %arg12[%add3A_317] : memref<1040000xf32, #tpu.memory_space<vmem_shared>> -> memref<13000xf32, #tpu.memory_space<vmem_shared>>
    tpu.enqueue_dma source(%arg11 : memref<13000xf32, #tpu.memory_space<vmem>>) target(%dma_start3A_339 : memref<13000xf32, #tpu.memory_space<vmem_shared>>) target_semaphore(%arg14 : memref<!tpu.dma_semaphore, #tpu.memory_space<semaphore_mem>>)
    %mul3A_340 = arith.constant 65000 : i32
    %mul3A_341 = arith.muli %arg1, %mul3A_340 : i32
    %add3A_342 = arith.constant 52000 : i32
    %add3A_343 = arith.addi %mul3A_341, %add3A_342 : i32
    %dma_wait3A_344 = tpu.memref_slice %arg12[%add3A_291] : memref<1040000xf32, #tpu.memory_space<vmem_shared>> -> memref<13000xf32, #tpu.memory_space<vmem_shared>>
    %dma_wait3A_345 = tpu.memref_slice %arg12[%add3A_291] : memref<1040000xf32, #tpu.memory_space<vmem_shared>> -> memref<13000xf32, #tpu.memory_space<vmem_shared>>
    tpu.wait_dma2 semaphore(%arg14 : memref<!tpu.dma_semaphore, #tpu.memory_space<semaphore_mem>>) src(%arg10 : memref<13000xf32, #tpu.memory_space<vmem>>) dst(%dma_wait3A_345 : memref<13000xf32, #tpu.memory_space<vmem_shared>>)
    %dma_start3A_346 = arith.constant 0 : i32
    %dma_start3A_347 = arith.constant 0 : i32
    %dma_start3A_348 = tpu.memref_slice %arg3[%dma_start3A_346, %dma_start3A_347] : memref<1x1040000xf32, #tpu.memory_space<hbm>> -> memref<1x1040000xf32, #tpu.memory_space<hbm>>
    %dma_start3A_349 = tpu.memref_squeeze %dma_start3A_348 : memref<1x1040000xf32, #tpu.memory_space<hbm>> -> memref<1040000xf32, #tpu.memory_space<hbm>>
    %dma_start3A_350 = tpu.memref_slice %dma_start3A_349[%add3A_343] : memref<1040000xf32, #tpu.memory_space<hbm>> -> memref<13000xf32, #tpu.memory_space<hbm>>
    %dma_start3A_351 = arith.constant 0 : i32
    %dma_start3A_352 = tpu.memref_slice %arg3[%dma_start3A_346, %dma_start3A_351] : memref<1x1040000xf32, #tpu.memory_space<hbm>> -> memref<1x1040000xf32, #tpu.memory_space<hbm>>
    %dma_start3A_353 = tpu.memref_squeeze %dma_start3A_352 : memref<1x1040000xf32, #tpu.memory_space<hbm>> -> memref<1040000xf32, #tpu.memory_space<hbm>>
    %dma_start3A_354 = tpu.memref_slice %dma_start3A_353[%add3A_343] : memref<1040000xf32, #tpu.memory_space<hbm>> -> memref<13000xf32, #tpu.memory_space<hbm>>
    tpu.enqueue_dma source(%dma_start3A_354 : memref<13000xf32, #tpu.memory_space<hbm>>) target(%arg10 : memref<13000xf32, #tpu.memory_space<vmem>>) target_semaphore(%arg13 : memref<!tpu.dma_semaphore, #tpu.memory_space<semaphore_mem>>)
    %dma_wait3A_355 = arith.constant 0 : i32
    %dma_wait3A_356 = arith.constant 0 : i32
    %dma_wait3A_357 = tpu.memref_slice %arg3[%dma_wait3A_355, %dma_wait3A_356] : memref<1x1040000xf32, #tpu.memory_space<hbm>> -> memref<1x1040000xf32, #tpu.memory_space<hbm>>
    %dma_wait3A_358 = tpu.memref_squeeze %dma_wait3A_357 : memref<1x1040000xf32, #tpu.memory_space<hbm>> -> memref<1040000xf32, #tpu.memory_space<hbm>>
    %dma_wait3A_359 = tpu.memref_slice %dma_wait3A_358[%add3A_343] : memref<1040000xf32, #tpu.memory_space<hbm>> -> memref<13000xf32, #tpu.memory_space<hbm>>
    %dma_wait3A_360 = arith.constant 0 : i32
    %dma_wait3A_361 = tpu.memref_slice %arg3[%dma_wait3A_355, %dma_wait3A_360] : memref<1x1040000xf32, #tpu.memory_space<hbm>> -> memref<1x1040000xf32, #tpu.memory_space<hbm>>
    %dma_wait3A_362 = tpu.memref_squeeze %dma_wait3A_361 : memref<1x1040000xf32, #tpu.memory_space<hbm>> -> memref<1040000xf32, #tpu.memory_space<hbm>>
    %dma_wait3A_363 = tpu.memref_slice %dma_wait3A_362[%add3A_343] : memref<1040000xf32, #tpu.memory_space<hbm>> -> memref<13000xf32, #tpu.memory_space<hbm>>
    tpu.wait_dma2 semaphore(%arg13 : memref<!tpu.dma_semaphore, #tpu.memory_space<semaphore_mem>>) src(%dma_wait3A_363 : memref<13000xf32, #tpu.memory_space<hbm>>) dst(%arg10 : memref<13000xf32, #tpu.memory_space<vmem>>)
    %dma_start3A_364 = tpu.memref_slice %arg12[%add3A_343] : memref<1040000xf32, #tpu.memory_space<vmem_shared>> -> memref<13000xf32, #tpu.memory_space<vmem_shared>>
    %dma_start3A_365 = tpu.memref_slice %arg12[%add3A_343] : memref<1040000xf32, #tpu.memory_space<vmem_shared>> -> memref<13000xf32, #tpu.memory_space<vmem_shared>>
    tpu.enqueue_dma source(%arg10 : memref<13000xf32, #tpu.memory_space<vmem>>) target(%dma_start3A_365 : memref<13000xf32, #tpu.memory_space<vmem_shared>>) target_semaphore(%arg14 : memref<!tpu.dma_semaphore, #tpu.memory_space<semaphore_mem>>)
    %dma_wait3A_366 = tpu.memref_slice %arg12[%add3A_343] : memref<1040000xf32, #tpu.memory_space<vmem_shared>> -> memref<13000xf32, #tpu.memory_space<vmem_shared>>
    %dma_wait3A_367 = tpu.memref_slice %arg12[%add3A_343] : memref<1040000xf32, #tpu.memory_space<vmem_shared>> -> memref<13000xf32, #tpu.memory_space<vmem_shared>>
    tpu.wait_dma2 semaphore(%arg14 : memref<!tpu.dma_semaphore, #tpu.memory_space<semaphore_mem>>) src(%arg10 : memref<13000xf32, #tpu.memory_space<vmem>>) dst(%dma_wait3A_367 : memref<13000xf32, #tpu.memory_space<vmem_shared>>)
    %dma_wait3A_368 = tpu.memref_slice %arg12[%add3A_317] : memref<1040000xf32, #tpu.memory_space<vmem_shared>> -> memref<13000xf32, #tpu.memory_space<vmem_shared>>
    %dma_wait3A_369 = tpu.memref_slice %arg12[%add3A_317] : memref<1040000xf32, #tpu.memory_space<vmem_shared>> -> memref<13000xf32, #tpu.memory_space<vmem_shared>>
    tpu.wait_dma2 semaphore(%arg14 : memref<!tpu.dma_semaphore, #tpu.memory_space<semaphore_mem>>) src(%arg11 : memref<13000xf32, #tpu.memory_space<vmem>>) dst(%dma_wait3A_369 : memref<13000xf32, #tpu.memory_space<vmem_shared>>)
    %dma_wait3A_370 = arith.constant 0 : i32
    %dma_wait3A_371 = arith.constant 0 : i32
    %dma_wait3A_372 = tpu.memref_slice %arg6[%dma_wait3A_371] : memref<13312xi32, #tpu.memory_space<vmem>> -> memref<512xi32, #tpu.memory_space<vmem>>
    %dma_wait3A_373 = tpu.memref_slice %arg2[%dma_wait3A_370, %mul3A_2] : memref<26x16384xi32, #tpu.memory_space<hbm>> -> memref<1x512xi32, #tpu.memory_space<hbm>>
    %dma_wait3A_374 = tpu.memref_squeeze %dma_wait3A_373 : memref<1x512xi32, #tpu.memory_space<hbm>> -> memref<512xi32, #tpu.memory_space<hbm>>
    %dma_wait3A_375 = arith.constant 0 : i32
    %dma_wait3A_376 = tpu.memref_slice %arg6[%dma_wait3A_375] : memref<13312xi32, #tpu.memory_space<vmem>> -> memref<512xi32, #tpu.memory_space<vmem>>
    %dma_wait3A_377 = tpu.memref_slice %arg2[%dma_wait3A_370, %mul3A_2] : memref<26x16384xi32, #tpu.memory_space<hbm>> -> memref<1x512xi32, #tpu.memory_space<hbm>>
    %dma_wait3A_378 = tpu.memref_squeeze %dma_wait3A_377 : memref<1x512xi32, #tpu.memory_space<hbm>> -> memref<512xi32, #tpu.memory_space<hbm>>
    tpu.wait_dma2 semaphore(%arg15 : memref<!tpu.dma_semaphore, #tpu.memory_space<semaphore_mem>>) src(%dma_wait3A_378 : memref<512xi32, #tpu.memory_space<hbm>>) dst(%dma_wait3A_376 : memref<512xi32, #tpu.memory_space<vmem>>)
    %dma_wait3A_379 = arith.constant 1 : i32
    %dma_wait3A_380 = arith.constant 512 : i32
    %dma_wait3A_381 = tpu.memref_slice %arg6[%dma_wait3A_380] : memref<13312xi32, #tpu.memory_space<vmem>> -> memref<512xi32, #tpu.memory_space<vmem>>
    %dma_wait3A_382 = tpu.memref_slice %arg2[%dma_wait3A_379, %mul3A_2] : memref<26x16384xi32, #tpu.memory_space<hbm>> -> memref<1x512xi32, #tpu.memory_space<hbm>>
    %dma_wait3A_383 = tpu.memref_squeeze %dma_wait3A_382 : memref<1x512xi32, #tpu.memory_space<hbm>> -> memref<512xi32, #tpu.memory_space<hbm>>
    %dma_wait3A_384 = arith.constant 512 : i32
    %dma_wait3A_385 = tpu.memref_slice %arg6[%dma_wait3A_384] : memref<13312xi32, #tpu.memory_space<vmem>> -> memref<512xi32, #tpu.memory_space<vmem>>
    %dma_wait3A_386 = tpu.memref_slice %arg2[%dma_wait3A_379, %mul3A_2] : memref<26x16384xi32, #tpu.memory_space<hbm>> -> memref<1x512xi32, #tpu.memory_space<hbm>>
    %dma_wait3A_387 = tpu.memref_squeeze %dma_wait3A_386 : memref<1x512xi32, #tpu.memory_space<hbm>> -> memref<512xi32, #tpu.memory_space<hbm>>
    tpu.wait_dma2 semaphore(%arg15 : memref<!tpu.dma_semaphore, #tpu.memory_space<semaphore_mem>>) src(%dma_wait3A_387 : memref<512xi32, #tpu.memory_space<hbm>>) dst(%dma_wait3A_385 : memref<512xi32, #tpu.memory_space<vmem>>)
    %dma_wait3A_388 = arith.constant 2 : i32
    %dma_wait3A_389 = arith.constant 1024 : i32
    %dma_wait3A_390 = tpu.memref_slice %arg6[%dma_wait3A_389] : memref<13312xi32, #tpu.memory_space<vmem>> -> memref<512xi32, #tpu.memory_space<vmem>>
    %dma_wait3A_391 = tpu.memref_slice %arg2[%dma_wait3A_388, %mul3A_2] : memref<26x16384xi32, #tpu.memory_space<hbm>> -> memref<1x512xi32, #tpu.memory_space<hbm>>
    %dma_wait3A_392 = tpu.memref_squeeze %dma_wait3A_391 : memref<1x512xi32, #tpu.memory_space<hbm>> -> memref<512xi32, #tpu.memory_space<hbm>>
    %dma_wait3A_393 = arith.constant 1024 : i32
    %dma_wait3A_394 = tpu.memref_slice %arg6[%dma_wait3A_393] : memref<13312xi32, #tpu.memory_space<vmem>> -> memref<512xi32, #tpu.memory_space<vmem>>
    %dma_wait3A_395 = tpu.memref_slice %arg2[%dma_wait3A_388, %mul3A_2] : memref<26x16384xi32, #tpu.memory_space<hbm>> -> memref<1x512xi32, #tpu.memory_space<hbm>>
    %dma_wait3A_396 = tpu.memref_squeeze %dma_wait3A_395 : memref<1x512xi32, #tpu.memory_space<hbm>> -> memref<512xi32, #tpu.memory_space<hbm>>
    tpu.wait_dma2 semaphore(%arg15 : memref<!tpu.dma_semaphore, #tpu.memory_space<semaphore_mem>>) src(%dma_wait3A_396 : memref<512xi32, #tpu.memory_space<hbm>>) dst(%dma_wait3A_394 : memref<512xi32, #tpu.memory_space<vmem>>)
    %dma_wait3A_397 = arith.constant 3 : i32
    %dma_wait3A_398 = arith.constant 1536 : i32
    %dma_wait3A_399 = tpu.memref_slice %arg6[%dma_wait3A_398] : memref<13312xi32, #tpu.memory_space<vmem>> -> memref<512xi32, #tpu.memory_space<vmem>>
    %dma_wait3A_400 = tpu.memref_slice %arg2[%dma_wait3A_397, %mul3A_2] : memref<26x16384xi32, #tpu.memory_space<hbm>> -> memref<1x512xi32, #tpu.memory_space<hbm>>
    %dma_wait3A_401 = tpu.memref_squeeze %dma_wait3A_400 : memref<1x512xi32, #tpu.memory_space<hbm>> -> memref<512xi32, #tpu.memory_space<hbm>>
    %dma_wait3A_402 = arith.constant 1536 : i32
    %dma_wait3A_403 = tpu.memref_slice %arg6[%dma_wait3A_402] : memref<13312xi32, #tpu.memory_space<vmem>> -> memref<512xi32, #tpu.memory_space<vmem>>
    %dma_wait3A_404 = tpu.memref_slice %arg2[%dma_wait3A_397, %mul3A_2] : memref<26x16384xi32, #tpu.memory_space<hbm>> -> memref<1x512xi32, #tpu.memory_space<hbm>>
    %dma_wait3A_405 = tpu.memref_squeeze %dma_wait3A_404 : memref<1x512xi32, #tpu.memory_space<hbm>> -> memref<512xi32, #tpu.memory_space<hbm>>
    tpu.wait_dma2 semaphore(%arg15 : memref<!tpu.dma_semaphore, #tpu.memory_space<semaphore_mem>>) src(%dma_wait3A_405 : memref<512xi32, #tpu.memory_space<hbm>>) dst(%dma_wait3A_403 : memref<512xi32, #tpu.memory_space<vmem>>)
    %dma_wait3A_406 = arith.constant 4 : i32
    %dma_wait3A_407 = arith.constant 2048 : i32
    %dma_wait3A_408 = tpu.memref_slice %arg6[%dma_wait3A_407] : memref<13312xi32, #tpu.memory_space<vmem>> -> memref<512xi32, #tpu.memory_space<vmem>>
    %dma_wait3A_409 = tpu.memref_slice %arg2[%dma_wait3A_406, %mul3A_2] : memref<26x16384xi32, #tpu.memory_space<hbm>> -> memref<1x512xi32, #tpu.memory_space<hbm>>
    %dma_wait3A_410 = tpu.memref_squeeze %dma_wait3A_409 : memref<1x512xi32, #tpu.memory_space<hbm>> -> memref<512xi32, #tpu.memory_space<hbm>>
    %dma_wait3A_411 = arith.constant 2048 : i32
    %dma_wait3A_412 = tpu.memref_slice %arg6[%dma_wait3A_411] : memref<13312xi32, #tpu.memory_space<vmem>> -> memref<512xi32, #tpu.memory_space<vmem>>
    %dma_wait3A_413 = tpu.memref_slice %arg2[%dma_wait3A_406, %mul3A_2] : memref<26x16384xi32, #tpu.memory_space<hbm>> -> memref<1x512xi32, #tpu.memory_space<hbm>>
    %dma_wait3A_414 = tpu.memref_squeeze %dma_wait3A_413 : memref<1x512xi32, #tpu.memory_space<hbm>> -> memref<512xi32, #tpu.memory_space<hbm>>
    tpu.wait_dma2 semaphore(%arg15 : memref<!tpu.dma_semaphore, #tpu.memory_space<semaphore_mem>>) src(%dma_wait3A_414 : memref<512xi32, #tpu.memory_space<hbm>>) dst(%dma_wait3A_412 : memref<512xi32, #tpu.memory_space<vmem>>)
    %dma_wait3A_415 = arith.constant 5 : i32
    %dma_wait3A_416 = arith.constant 2560 : i32
    %dma_wait3A_417 = tpu.memref_slice %arg6[%dma_wait3A_416] : memref<13312xi32, #tpu.memory_space<vmem>> -> memref<512xi32, #tpu.memory_space<vmem>>
    %dma_wait3A_418 = tpu.memref_slice %arg2[%dma_wait3A_415, %mul3A_2] : memref<26x16384xi32, #tpu.memory_space<hbm>> -> memref<1x512xi32, #tpu.memory_space<hbm>>
    %dma_wait3A_419 = tpu.memref_squeeze %dma_wait3A_418 : memref<1x512xi32, #tpu.memory_space<hbm>> -> memref<512xi32, #tpu.memory_space<hbm>>
    %dma_wait3A_420 = arith.constant 2560 : i32
    %dma_wait3A_421 = tpu.memref_slice %arg6[%dma_wait3A_420] : memref<13312xi32, #tpu.memory_space<vmem>> -> memref<512xi32, #tpu.memory_space<vmem>>
    %dma_wait3A_422 = tpu.memref_slice %arg2[%dma_wait3A_415, %mul3A_2] : memref<26x16384xi32, #tpu.memory_space<hbm>> -> memref<1x512xi32, #tpu.memory_space<hbm>>
    %dma_wait3A_423 = tpu.memref_squeeze %dma_wait3A_422 : memref<1x512xi32, #tpu.memory_space<hbm>> -> memref<512xi32, #tpu.memory_space<hbm>>
    tpu.wait_dma2 semaphore(%arg15 : memref<!tpu.dma_semaphore, #tpu.memory_space<semaphore_mem>>) src(%dma_wait3A_423 : memref<512xi32, #tpu.memory_space<hbm>>) dst(%dma_wait3A_421 : memref<512xi32, #tpu.memory_space<vmem>>)
    %dma_wait3A_424 = arith.constant 6 : i32
    %dma_wait3A_425 = arith.constant 3072 : i32
    %dma_wait3A_426 = tpu.memref_slice %arg6[%dma_wait3A_425] : memref<13312xi32, #tpu.memory_space<vmem>> -> memref<512xi32, #tpu.memory_space<vmem>>
    %dma_wait3A_427 = tpu.memref_slice %arg2[%dma_wait3A_424, %mul3A_2] : memref<26x16384xi32, #tpu.memory_space<hbm>> -> memref<1x512xi32, #tpu.memory_space<hbm>>
    %dma_wait3A_428 = tpu.memref_squeeze %dma_wait3A_427 : memref<1x512xi32, #tpu.memory_space<hbm>> -> memref<512xi32, #tpu.memory_space<hbm>>
    %dma_wait3A_429 = arith.constant 3072 : i32
    %dma_wait3A_430 = tpu.memref_slice %arg6[%dma_wait3A_429] : memref<13312xi32, #tpu.memory_space<vmem>> -> memref<512xi32, #tpu.memory_space<vmem>>
    %dma_wait3A_431 = tpu.memref_slice %arg2[%dma_wait3A_424, %mul3A_2] : memref<26x16384xi32, #tpu.memory_space<hbm>> -> memref<1x512xi32, #tpu.memory_space<hbm>>
    %dma_wait3A_432 = tpu.memref_squeeze %dma_wait3A_431 : memref<1x512xi32, #tpu.memory_space<hbm>> -> memref<512xi32, #tpu.memory_space<hbm>>
    tpu.wait_dma2 semaphore(%arg15 : memref<!tpu.dma_semaphore, #tpu.memory_space<semaphore_mem>>) src(%dma_wait3A_432 : memref<512xi32, #tpu.memory_space<hbm>>) dst(%dma_wait3A_430 : memref<512xi32, #tpu.memory_space<vmem>>)
    %dma_wait3A_433 = arith.constant 7 : i32
    %dma_wait3A_434 = arith.constant 3584 : i32
    %dma_wait3A_435 = tpu.memref_slice %arg6[%dma_wait3A_434] : memref<13312xi32, #tpu.memory_space<vmem>> -> memref<512xi32, #tpu.memory_space<vmem>>
    %dma_wait3A_436 = tpu.memref_slice %arg2[%dma_wait3A_433, %mul3A_2] : memref<26x16384xi32, #tpu.memory_space<hbm>> -> memref<1x512xi32, #tpu.memory_space<hbm>>
    %dma_wait3A_437 = tpu.memref_squeeze %dma_wait3A_436 : memref<1x512xi32, #tpu.memory_space<hbm>> -> memref<512xi32, #tpu.memory_space<hbm>>
    %dma_wait3A_438 = arith.constant 3584 : i32
    %dma_wait3A_439 = tpu.memref_slice %arg6[%dma_wait3A_438] : memref<13312xi32, #tpu.memory_space<vmem>> -> memref<512xi32, #tpu.memory_space<vmem>>
    %dma_wait3A_440 = tpu.memref_slice %arg2[%dma_wait3A_433, %mul3A_2] : memref<26x16384xi32, #tpu.memory_space<hbm>> -> memref<1x512xi32, #tpu.memory_space<hbm>>
    %dma_wait3A_441 = tpu.memref_squeeze %dma_wait3A_440 : memref<1x512xi32, #tpu.memory_space<hbm>> -> memref<512xi32, #tpu.memory_space<hbm>>
    tpu.wait_dma2 semaphore(%arg15 : memref<!tpu.dma_semaphore, #tpu.memory_space<semaphore_mem>>) src(%dma_wait3A_441 : memref<512xi32, #tpu.memory_space<hbm>>) dst(%dma_wait3A_439 : memref<512xi32, #tpu.memory_space<vmem>>)
    %dma_wait3A_442 = arith.constant 8 : i32
    %dma_wait3A_443 = arith.constant 4096 : i32
    %dma_wait3A_444 = tpu.memref_slice %arg6[%dma_wait3A_443] : memref<13312xi32, #tpu.memory_space<vmem>> -> memref<512xi32, #tpu.memory_space<vmem>>
    %dma_wait3A_445 = tpu.memref_slice %arg2[%dma_wait3A_442, %mul3A_2] : memref<26x16384xi32, #tpu.memory_space<hbm>> -> memref<1x512xi32, #tpu.memory_space<hbm>>
    %dma_wait3A_446 = tpu.memref_squeeze %dma_wait3A_445 : memref<1x512xi32, #tpu.memory_space<hbm>> -> memref<512xi32, #tpu.memory_space<hbm>>
    %dma_wait3A_447 = arith.constant 4096 : i32
    %dma_wait3A_448 = tpu.memref_slice %arg6[%dma_wait3A_447] : memref<13312xi32, #tpu.memory_space<vmem>> -> memref<512xi32, #tpu.memory_space<vmem>>
    %dma_wait3A_449 = tpu.memref_slice %arg2[%dma_wait3A_442, %mul3A_2] : memref<26x16384xi32, #tpu.memory_space<hbm>> -> memref<1x512xi32, #tpu.memory_space<hbm>>
    %dma_wait3A_450 = tpu.memref_squeeze %dma_wait3A_449 : memref<1x512xi32, #tpu.memory_space<hbm>> -> memref<512xi32, #tpu.memory_space<hbm>>
    tpu.wait_dma2 semaphore(%arg15 : memref<!tpu.dma_semaphore, #tpu.memory_space<semaphore_mem>>) src(%dma_wait3A_450 : memref<512xi32, #tpu.memory_space<hbm>>) dst(%dma_wait3A_448 : memref<512xi32, #tpu.memory_space<vmem>>)
    %dma_wait3A_451 = arith.constant 9 : i32
    %dma_wait3A_452 = arith.constant 4608 : i32
    %dma_wait3A_453 = tpu.memref_slice %arg6[%dma_wait3A_452] : memref<13312xi32, #tpu.memory_space<vmem>> -> memref<512xi32, #tpu.memory_space<vmem>>
    %dma_wait3A_454 = tpu.memref_slice %arg2[%dma_wait3A_451, %mul3A_2] : memref<26x16384xi32, #tpu.memory_space<hbm>> -> memref<1x512xi32, #tpu.memory_space<hbm>>
    %dma_wait3A_455 = tpu.memref_squeeze %dma_wait3A_454 : memref<1x512xi32, #tpu.memory_space<hbm>> -> memref<512xi32, #tpu.memory_space<hbm>>
    %dma_wait3A_456 = arith.constant 4608 : i32
    %dma_wait3A_457 = tpu.memref_slice %arg6[%dma_wait3A_456] : memref<13312xi32, #tpu.memory_space<vmem>> -> memref<512xi32, #tpu.memory_space<vmem>>
    %dma_wait3A_458 = tpu.memref_slice %arg2[%dma_wait3A_451, %mul3A_2] : memref<26x16384xi32, #tpu.memory_space<hbm>> -> memref<1x512xi32, #tpu.memory_space<hbm>>
    %dma_wait3A_459 = tpu.memref_squeeze %dma_wait3A_458 : memref<1x512xi32, #tpu.memory_space<hbm>> -> memref<512xi32, #tpu.memory_space<hbm>>
    tpu.wait_dma2 semaphore(%arg15 : memref<!tpu.dma_semaphore, #tpu.memory_space<semaphore_mem>>) src(%dma_wait3A_459 : memref<512xi32, #tpu.memory_space<hbm>>) dst(%dma_wait3A_457 : memref<512xi32, #tpu.memory_space<vmem>>)
    %dma_wait3A_460 = arith.constant 10 : i32
    %dma_wait3A_461 = arith.constant 5120 : i32
    %dma_wait3A_462 = tpu.memref_slice %arg6[%dma_wait3A_461] : memref<13312xi32, #tpu.memory_space<vmem>> -> memref<512xi32, #tpu.memory_space<vmem>>
    %dma_wait3A_463 = tpu.memref_slice %arg2[%dma_wait3A_460, %mul3A_2] : memref<26x16384xi32, #tpu.memory_space<hbm>> -> memref<1x512xi32, #tpu.memory_space<hbm>>
    %dma_wait3A_464 = tpu.memref_squeeze %dma_wait3A_463 : memref<1x512xi32, #tpu.memory_space<hbm>> -> memref<512xi32, #tpu.memory_space<hbm>>
    %dma_wait3A_465 = arith.constant 5120 : i32
    %dma_wait3A_466 = tpu.memref_slice %arg6[%dma_wait3A_465] : memref<13312xi32, #tpu.memory_space<vmem>> -> memref<512xi32, #tpu.memory_space<vmem>>
    %dma_wait3A_467 = tpu.memref_slice %arg2[%dma_wait3A_460, %mul3A_2] : memref<26x16384xi32, #tpu.memory_space<hbm>> -> memref<1x512xi32, #tpu.memory_space<hbm>>
    %dma_wait3A_468 = tpu.memref_squeeze %dma_wait3A_467 : memref<1x512xi32, #tpu.memory_space<hbm>> -> memref<512xi32, #tpu.memory_space<hbm>>
    tpu.wait_dma2 semaphore(%arg15 : memref<!tpu.dma_semaphore, #tpu.memory_space<semaphore_mem>>) src(%dma_wait3A_468 : memref<512xi32, #tpu.memory_space<hbm>>) dst(%dma_wait3A_466 : memref<512xi32, #tpu.memory_space<vmem>>)
    %dma_wait3A_469 = arith.constant 11 : i32
    %dma_wait3A_470 = arith.constant 5632 : i32
    %dma_wait3A_471 = tpu.memref_slice %arg6[%dma_wait3A_470] : memref<13312xi32, #tpu.memory_space<vmem>> -> memref<512xi32, #tpu.memory_space<vmem>>
    %dma_wait3A_472 = tpu.memref_slice %arg2[%dma_wait3A_469, %mul3A_2] : memref<26x16384xi32, #tpu.memory_space<hbm>> -> memref<1x512xi32, #tpu.memory_space<hbm>>
    %dma_wait3A_473 = tpu.memref_squeeze %dma_wait3A_472 : memref<1x512xi32, #tpu.memory_space<hbm>> -> memref<512xi32, #tpu.memory_space<hbm>>
    %dma_wait3A_474 = arith.constant 5632 : i32
    %dma_wait3A_475 = tpu.memref_slice %arg6[%dma_wait3A_474] : memref<13312xi32, #tpu.memory_space<vmem>> -> memref<512xi32, #tpu.memory_space<vmem>>
    %dma_wait3A_476 = tpu.memref_slice %arg2[%dma_wait3A_469, %mul3A_2] : memref<26x16384xi32, #tpu.memory_space<hbm>> -> memref<1x512xi32, #tpu.memory_space<hbm>>
    %dma_wait3A_477 = tpu.memref_squeeze %dma_wait3A_476 : memref<1x512xi32, #tpu.memory_space<hbm>> -> memref<512xi32, #tpu.memory_space<hbm>>
    tpu.wait_dma2 semaphore(%arg15 : memref<!tpu.dma_semaphore, #tpu.memory_space<semaphore_mem>>) src(%dma_wait3A_477 : memref<512xi32, #tpu.memory_space<hbm>>) dst(%dma_wait3A_475 : memref<512xi32, #tpu.memory_space<vmem>>)
    %dma_wait3A_478 = arith.constant 12 : i32
    %dma_wait3A_479 = arith.constant 6144 : i32
    %dma_wait3A_480 = tpu.memref_slice %arg6[%dma_wait3A_479] : memref<13312xi32, #tpu.memory_space<vmem>> -> memref<512xi32, #tpu.memory_space<vmem>>
    %dma_wait3A_481 = tpu.memref_slice %arg2[%dma_wait3A_478, %mul3A_2] : memref<26x16384xi32, #tpu.memory_space<hbm>> -> memref<1x512xi32, #tpu.memory_space<hbm>>
    %dma_wait3A_482 = tpu.memref_squeeze %dma_wait3A_481 : memref<1x512xi32, #tpu.memory_space<hbm>> -> memref<512xi32, #tpu.memory_space<hbm>>
    %dma_wait3A_483 = arith.constant 6144 : i32
    %dma_wait3A_484 = tpu.memref_slice %arg6[%dma_wait3A_483] : memref<13312xi32, #tpu.memory_space<vmem>> -> memref<512xi32, #tpu.memory_space<vmem>>
    %dma_wait3A_485 = tpu.memref_slice %arg2[%dma_wait3A_478, %mul3A_2] : memref<26x16384xi32, #tpu.memory_space<hbm>> -> memref<1x512xi32, #tpu.memory_space<hbm>>
    %dma_wait3A_486 = tpu.memref_squeeze %dma_wait3A_485 : memref<1x512xi32, #tpu.memory_space<hbm>> -> memref<512xi32, #tpu.memory_space<hbm>>
    tpu.wait_dma2 semaphore(%arg15 : memref<!tpu.dma_semaphore, #tpu.memory_space<semaphore_mem>>) src(%dma_wait3A_486 : memref<512xi32, #tpu.memory_space<hbm>>) dst(%dma_wait3A_484 : memref<512xi32, #tpu.memory_space<vmem>>)
    %dma_wait3A_487 = arith.constant 13 : i32
    %dma_wait3A_488 = arith.constant 6656 : i32
    %dma_wait3A_489 = tpu.memref_slice %arg6[%dma_wait3A_488] : memref<13312xi32, #tpu.memory_space<vmem>> -> memref<512xi32, #tpu.memory_space<vmem>>
    %dma_wait3A_490 = tpu.memref_slice %arg2[%dma_wait3A_487, %mul3A_2] : memref<26x16384xi32, #tpu.memory_space<hbm>> -> memref<1x512xi32, #tpu.memory_space<hbm>>
    %dma_wait3A_491 = tpu.memref_squeeze %dma_wait3A_490 : memref<1x512xi32, #tpu.memory_space<hbm>> -> memref<512xi32, #tpu.memory_space<hbm>>
    %dma_wait3A_492 = arith.constant 6656 : i32
    %dma_wait3A_493 = tpu.memref_slice %arg6[%dma_wait3A_492] : memref<13312xi32, #tpu.memory_space<vmem>> -> memref<512xi32, #tpu.memory_space<vmem>>
    %dma_wait3A_494 = tpu.memref_slice %arg2[%dma_wait3A_487, %mul3A_2] : memref<26x16384xi32, #tpu.memory_space<hbm>> -> memref<1x512xi32, #tpu.memory_space<hbm>>
    %dma_wait3A_495 = tpu.memref_squeeze %dma_wait3A_494 : memref<1x512xi32, #tpu.memory_space<hbm>> -> memref<512xi32, #tpu.memory_space<hbm>>
    tpu.wait_dma2 semaphore(%arg15 : memref<!tpu.dma_semaphore, #tpu.memory_space<semaphore_mem>>) src(%dma_wait3A_495 : memref<512xi32, #tpu.memory_space<hbm>>) dst(%dma_wait3A_493 : memref<512xi32, #tpu.memory_space<vmem>>)
    %dma_wait3A_496 = arith.constant 14 : i32
    %dma_wait3A_497 = arith.constant 7168 : i32
    %dma_wait3A_498 = tpu.memref_slice %arg6[%dma_wait3A_497] : memref<13312xi32, #tpu.memory_space<vmem>> -> memref<512xi32, #tpu.memory_space<vmem>>
    %dma_wait3A_499 = tpu.memref_slice %arg2[%dma_wait3A_496, %mul3A_2] : memref<26x16384xi32, #tpu.memory_space<hbm>> -> memref<1x512xi32, #tpu.memory_space<hbm>>
    %dma_wait3A_500 = tpu.memref_squeeze %dma_wait3A_499 : memref<1x512xi32, #tpu.memory_space<hbm>> -> memref<512xi32, #tpu.memory_space<hbm>>
    %dma_wait3A_501 = arith.constant 7168 : i32
    %dma_wait3A_502 = tpu.memref_slice %arg6[%dma_wait3A_501] : memref<13312xi32, #tpu.memory_space<vmem>> -> memref<512xi32, #tpu.memory_space<vmem>>
    %dma_wait3A_503 = tpu.memref_slice %arg2[%dma_wait3A_496, %mul3A_2] : memref<26x16384xi32, #tpu.memory_space<hbm>> -> memref<1x512xi32, #tpu.memory_space<hbm>>
    %dma_wait3A_504 = tpu.memref_squeeze %dma_wait3A_503 : memref<1x512xi32, #tpu.memory_space<hbm>> -> memref<512xi32, #tpu.memory_space<hbm>>
    tpu.wait_dma2 semaphore(%arg15 : memref<!tpu.dma_semaphore, #tpu.memory_space<semaphore_mem>>) src(%dma_wait3A_504 : memref<512xi32, #tpu.memory_space<hbm>>) dst(%dma_wait3A_502 : memref<512xi32, #tpu.memory_space<vmem>>)
    %dma_wait3A_505 = arith.constant 15 : i32
    %dma_wait3A_506 = arith.constant 7680 : i32
    %dma_wait3A_507 = tpu.memref_slice %arg6[%dma_wait3A_506] : memref<13312xi32, #tpu.memory_space<vmem>> -> memref<512xi32, #tpu.memory_space<vmem>>
    %dma_wait3A_508 = tpu.memref_slice %arg2[%dma_wait3A_505, %mul3A_2] : memref<26x16384xi32, #tpu.memory_space<hbm>> -> memref<1x512xi32, #tpu.memory_space<hbm>>
    %dma_wait3A_509 = tpu.memref_squeeze %dma_wait3A_508 : memref<1x512xi32, #tpu.memory_space<hbm>> -> memref<512xi32, #tpu.memory_space<hbm>>
    %dma_wait3A_510 = arith.constant 7680 : i32
    %dma_wait3A_511 = tpu.memref_slice %arg6[%dma_wait3A_510] : memref<13312xi32, #tpu.memory_space<vmem>> -> memref<512xi32, #tpu.memory_space<vmem>>
    %dma_wait3A_512 = tpu.memref_slice %arg2[%dma_wait3A_505, %mul3A_2] : memref<26x16384xi32, #tpu.memory_space<hbm>> -> memref<1x512xi32, #tpu.memory_space<hbm>>
    %dma_wait3A_513 = tpu.memref_squeeze %dma_wait3A_512 : memref<1x512xi32, #tpu.memory_space<hbm>> -> memref<512xi32, #tpu.memory_space<hbm>>
    tpu.wait_dma2 semaphore(%arg15 : memref<!tpu.dma_semaphore, #tpu.memory_space<semaphore_mem>>) src(%dma_wait3A_513 : memref<512xi32, #tpu.memory_space<hbm>>) dst(%dma_wait3A_511 : memref<512xi32, #tpu.memory_space<vmem>>)
    %dma_wait3A_514 = arith.constant 16 : i32
    %dma_wait3A_515 = arith.constant 8192 : i32
    %dma_wait3A_516 = tpu.memref_slice %arg6[%dma_wait3A_515] : memref<13312xi32, #tpu.memory_space<vmem>> -> memref<512xi32, #tpu.memory_space<vmem>>
    %dma_wait3A_517 = tpu.memref_slice %arg2[%dma_wait3A_514, %mul3A_2] : memref<26x16384xi32, #tpu.memory_space<hbm>> -> memref<1x512xi32, #tpu.memory_space<hbm>>
    %dma_wait3A_518 = tpu.memref_squeeze %dma_wait3A_517 : memref<1x512xi32, #tpu.memory_space<hbm>> -> memref<512xi32, #tpu.memory_space<hbm>>
    %dma_wait3A_519 = arith.constant 8192 : i32
    %dma_wait3A_520 = tpu.memref_slice %arg6[%dma_wait3A_519] : memref<13312xi32, #tpu.memory_space<vmem>> -> memref<512xi32, #tpu.memory_space<vmem>>
    %dma_wait3A_521 = tpu.memref_slice %arg2[%dma_wait3A_514, %mul3A_2] : memref<26x16384xi32, #tpu.memory_space<hbm>> -> memref<1x512xi32, #tpu.memory_space<hbm>>
    %dma_wait3A_522 = tpu.memref_squeeze %dma_wait3A_521 : memref<1x512xi32, #tpu.memory_space<hbm>> -> memref<512xi32, #tpu.memory_space<hbm>>
    tpu.wait_dma2 semaphore(%arg15 : memref<!tpu.dma_semaphore, #tpu.memory_space<semaphore_mem>>) src(%dma_wait3A_522 : memref<512xi32, #tpu.memory_space<hbm>>) dst(%dma_wait3A_520 : memref<512xi32, #tpu.memory_space<vmem>>)
    %dma_wait3A_523 = arith.constant 17 : i32
    %dma_wait3A_524 = arith.constant 8704 : i32
    %dma_wait3A_525 = tpu.memref_slice %arg6[%dma_wait3A_524] : memref<13312xi32, #tpu.memory_space<vmem>> -> memref<512xi32, #tpu.memory_space<vmem>>
    %dma_wait3A_526 = tpu.memref_slice %arg2[%dma_wait3A_523, %mul3A_2] : memref<26x16384xi32, #tpu.memory_space<hbm>> -> memref<1x512xi32, #tpu.memory_space<hbm>>
    %dma_wait3A_527 = tpu.memref_squeeze %dma_wait3A_526 : memref<1x512xi32, #tpu.memory_space<hbm>> -> memref<512xi32, #tpu.memory_space<hbm>>
    %dma_wait3A_528 = arith.constant 8704 : i32
    %dma_wait3A_529 = tpu.memref_slice %arg6[%dma_wait3A_528] : memref<13312xi32, #tpu.memory_space<vmem>> -> memref<512xi32, #tpu.memory_space<vmem>>
    %dma_wait3A_530 = tpu.memref_slice %arg2[%dma_wait3A_523, %mul3A_2] : memref<26x16384xi32, #tpu.memory_space<hbm>> -> memref<1x512xi32, #tpu.memory_space<hbm>>
    %dma_wait3A_531 = tpu.memref_squeeze %dma_wait3A_530 : memref<1x512xi32, #tpu.memory_space<hbm>> -> memref<512xi32, #tpu.memory_space<hbm>>
    tpu.wait_dma2 semaphore(%arg15 : memref<!tpu.dma_semaphore, #tpu.memory_space<semaphore_mem>>) src(%dma_wait3A_531 : memref<512xi32, #tpu.memory_space<hbm>>) dst(%dma_wait3A_529 : memref<512xi32, #tpu.memory_space<vmem>>)
    %dma_wait3A_532 = arith.constant 18 : i32
    %dma_wait3A_533 = arith.constant 9216 : i32
    %dma_wait3A_534 = tpu.memref_slice %arg6[%dma_wait3A_533] : memref<13312xi32, #tpu.memory_space<vmem>> -> memref<512xi32, #tpu.memory_space<vmem>>
    %dma_wait3A_535 = tpu.memref_slice %arg2[%dma_wait3A_532, %mul3A_2] : memref<26x16384xi32, #tpu.memory_space<hbm>> -> memref<1x512xi32, #tpu.memory_space<hbm>>
    %dma_wait3A_536 = tpu.memref_squeeze %dma_wait3A_535 : memref<1x512xi32, #tpu.memory_space<hbm>> -> memref<512xi32, #tpu.memory_space<hbm>>
    %dma_wait3A_537 = arith.constant 9216 : i32
    %dma_wait3A_538 = tpu.memref_slice %arg6[%dma_wait3A_537] : memref<13312xi32, #tpu.memory_space<vmem>> -> memref<512xi32, #tpu.memory_space<vmem>>
    %dma_wait3A_539 = tpu.memref_slice %arg2[%dma_wait3A_532, %mul3A_2] : memref<26x16384xi32, #tpu.memory_space<hbm>> -> memref<1x512xi32, #tpu.memory_space<hbm>>
    %dma_wait3A_540 = tpu.memref_squeeze %dma_wait3A_539 : memref<1x512xi32, #tpu.memory_space<hbm>> -> memref<512xi32, #tpu.memory_space<hbm>>
    tpu.wait_dma2 semaphore(%arg15 : memref<!tpu.dma_semaphore, #tpu.memory_space<semaphore_mem>>) src(%dma_wait3A_540 : memref<512xi32, #tpu.memory_space<hbm>>) dst(%dma_wait3A_538 : memref<512xi32, #tpu.memory_space<vmem>>)
    %dma_wait3A_541 = arith.constant 19 : i32
    %dma_wait3A_542 = arith.constant 9728 : i32
    %dma_wait3A_543 = tpu.memref_slice %arg6[%dma_wait3A_542] : memref<13312xi32, #tpu.memory_space<vmem>> -> memref<512xi32, #tpu.memory_space<vmem>>
    %dma_wait3A_544 = tpu.memref_slice %arg2[%dma_wait3A_541, %mul3A_2] : memref<26x16384xi32, #tpu.memory_space<hbm>> -> memref<1x512xi32, #tpu.memory_space<hbm>>
    %dma_wait3A_545 = tpu.memref_squeeze %dma_wait3A_544 : memref<1x512xi32, #tpu.memory_space<hbm>> -> memref<512xi32, #tpu.memory_space<hbm>>
    %dma_wait3A_546 = arith.constant 9728 : i32
    %dma_wait3A_547 = tpu.memref_slice %arg6[%dma_wait3A_546] : memref<13312xi32, #tpu.memory_space<vmem>> -> memref<512xi32, #tpu.memory_space<vmem>>
    %dma_wait3A_548 = tpu.memref_slice %arg2[%dma_wait3A_541, %mul3A_2] : memref<26x16384xi32, #tpu.memory_space<hbm>> -> memref<1x512xi32, #tpu.memory_space<hbm>>
    %dma_wait3A_549 = tpu.memref_squeeze %dma_wait3A_548 : memref<1x512xi32, #tpu.memory_space<hbm>> -> memref<512xi32, #tpu.memory_space<hbm>>
    tpu.wait_dma2 semaphore(%arg15 : memref<!tpu.dma_semaphore, #tpu.memory_space<semaphore_mem>>) src(%dma_wait3A_549 : memref<512xi32, #tpu.memory_space<hbm>>) dst(%dma_wait3A_547 : memref<512xi32, #tpu.memory_space<vmem>>)
    %dma_wait3A_550 = arith.constant 20 : i32
    %dma_wait3A_551 = arith.constant 10240 : i32
    %dma_wait3A_552 = tpu.memref_slice %arg6[%dma_wait3A_551] : memref<13312xi32, #tpu.memory_space<vmem>> -> memref<512xi32, #tpu.memory_space<vmem>>
    %dma_wait3A_553 = tpu.memref_slice %arg2[%dma_wait3A_550, %mul3A_2] : memref<26x16384xi32, #tpu.memory_space<hbm>> -> memref<1x512xi32, #tpu.memory_space<hbm>>
    %dma_wait3A_554 = tpu.memref_squeeze %dma_wait3A_553 : memref<1x512xi32, #tpu.memory_space<hbm>> -> memref<512xi32, #tpu.memory_space<hbm>>
    %dma_wait3A_555 = arith.constant 10240 : i32
    %dma_wait3A_556 = tpu.memref_slice %arg6[%dma_wait3A_555] : memref<13312xi32, #tpu.memory_space<vmem>> -> memref<512xi32, #tpu.memory_space<vmem>>
    %dma_wait3A_557 = tpu.memref_slice %arg2[%dma_wait3A_550, %mul3A_2] : memref<26x16384xi32, #tpu.memory_space<hbm>> -> memref<1x512xi32, #tpu.memory_space<hbm>>
    %dma_wait3A_558 = tpu.memref_squeeze %dma_wait3A_557 : memref<1x512xi32, #tpu.memory_space<hbm>> -> memref<512xi32, #tpu.memory_space<hbm>>
    tpu.wait_dma2 semaphore(%arg15 : memref<!tpu.dma_semaphore, #tpu.memory_space<semaphore_mem>>) src(%dma_wait3A_558 : memref<512xi32, #tpu.memory_space<hbm>>) dst(%dma_wait3A_556 : memref<512xi32, #tpu.memory_space<vmem>>)
    %dma_wait3A_559 = arith.constant 21 : i32
    %dma_wait3A_560 = arith.constant 10752 : i32
    %dma_wait3A_561 = tpu.memref_slice %arg6[%dma_wait3A_560] : memref<13312xi32, #tpu.memory_space<vmem>> -> memref<512xi32, #tpu.memory_space<vmem>>
    %dma_wait3A_562 = tpu.memref_slice %arg2[%dma_wait3A_559, %mul3A_2] : memref<26x16384xi32, #tpu.memory_space<hbm>> -> memref<1x512xi32, #tpu.memory_space<hbm>>
    %dma_wait3A_563 = tpu.memref_squeeze %dma_wait3A_562 : memref<1x512xi32, #tpu.memory_space<hbm>> -> memref<512xi32, #tpu.memory_space<hbm>>
    %dma_wait3A_564 = arith.constant 10752 : i32
    %dma_wait3A_565 = tpu.memref_slice %arg6[%dma_wait3A_564] : memref<13312xi32, #tpu.memory_space<vmem>> -> memref<512xi32, #tpu.memory_space<vmem>>
    %dma_wait3A_566 = tpu.memref_slice %arg2[%dma_wait3A_559, %mul3A_2] : memref<26x16384xi32, #tpu.memory_space<hbm>> -> memref<1x512xi32, #tpu.memory_space<hbm>>
    %dma_wait3A_567 = tpu.memref_squeeze %dma_wait3A_566 : memref<1x512xi32, #tpu.memory_space<hbm>> -> memref<512xi32, #tpu.memory_space<hbm>>
    tpu.wait_dma2 semaphore(%arg15 : memref<!tpu.dma_semaphore, #tpu.memory_space<semaphore_mem>>) src(%dma_wait3A_567 : memref<512xi32, #tpu.memory_space<hbm>>) dst(%dma_wait3A_565 : memref<512xi32, #tpu.memory_space<vmem>>)
    %dma_wait3A_568 = arith.constant 22 : i32
    %dma_wait3A_569 = arith.constant 11264 : i32
    %dma_wait3A_570 = tpu.memref_slice %arg6[%dma_wait3A_569] : memref<13312xi32, #tpu.memory_space<vmem>> -> memref<512xi32, #tpu.memory_space<vmem>>
    %dma_wait3A_571 = tpu.memref_slice %arg2[%dma_wait3A_568, %mul3A_2] : memref<26x16384xi32, #tpu.memory_space<hbm>> -> memref<1x512xi32, #tpu.memory_space<hbm>>
    %dma_wait3A_572 = tpu.memref_squeeze %dma_wait3A_571 : memref<1x512xi32, #tpu.memory_space<hbm>> -> memref<512xi32, #tpu.memory_space<hbm>>
    %dma_wait3A_573 = arith.constant 11264 : i32
    %dma_wait3A_574 = tpu.memref_slice %arg6[%dma_wait3A_573] : memref<13312xi32, #tpu.memory_space<vmem>> -> memref<512xi32, #tpu.memory_space<vmem>>
    %dma_wait3A_575 = tpu.memref_slice %arg2[%dma_wait3A_568, %mul3A_2] : memref<26x16384xi32, #tpu.memory_space<hbm>> -> memref<1x512xi32, #tpu.memory_space<hbm>>
    %dma_wait3A_576 = tpu.memref_squeeze %dma_wait3A_575 : memref<1x512xi32, #tpu.memory_space<hbm>> -> memref<512xi32, #tpu.memory_space<hbm>>
    tpu.wait_dma2 semaphore(%arg15 : memref<!tpu.dma_semaphore, #tpu.memory_space<semaphore_mem>>) src(%dma_wait3A_576 : memref<512xi32, #tpu.memory_space<hbm>>) dst(%dma_wait3A_574 : memref<512xi32, #tpu.memory_space<vmem>>)
    %dma_wait3A_577 = arith.constant 23 : i32
    %dma_wait3A_578 = arith.constant 11776 : i32
    %dma_wait3A_579 = tpu.memref_slice %arg6[%dma_wait3A_578] : memref<13312xi32, #tpu.memory_space<vmem>> -> memref<512xi32, #tpu.memory_space<vmem>>
    %dma_wait3A_580 = tpu.memref_slice %arg2[%dma_wait3A_577, %mul3A_2] : memref<26x16384xi32, #tpu.memory_space<hbm>> -> memref<1x512xi32, #tpu.memory_space<hbm>>
    %dma_wait3A_581 = tpu.memref_squeeze %dma_wait3A_580 : memref<1x512xi32, #tpu.memory_space<hbm>> -> memref<512xi32, #tpu.memory_space<hbm>>
    %dma_wait3A_582 = arith.constant 11776 : i32
    %dma_wait3A_583 = tpu.memref_slice %arg6[%dma_wait3A_582] : memref<13312xi32, #tpu.memory_space<vmem>> -> memref<512xi32, #tpu.memory_space<vmem>>
    %dma_wait3A_584 = tpu.memref_slice %arg2[%dma_wait3A_577, %mul3A_2] : memref<26x16384xi32, #tpu.memory_space<hbm>> -> memref<1x512xi32, #tpu.memory_space<hbm>>
    %dma_wait3A_585 = tpu.memref_squeeze %dma_wait3A_584 : memref<1x512xi32, #tpu.memory_space<hbm>> -> memref<512xi32, #tpu.memory_space<hbm>>
    tpu.wait_dma2 semaphore(%arg15 : memref<!tpu.dma_semaphore, #tpu.memory_space<semaphore_mem>>) src(%dma_wait3A_585 : memref<512xi32, #tpu.memory_space<hbm>>) dst(%dma_wait3A_583 : memref<512xi32, #tpu.memory_space<vmem>>)
    %dma_wait3A_586 = arith.constant 24 : i32
    %dma_wait3A_587 = arith.constant 12288 : i32
    %dma_wait3A_588 = tpu.memref_slice %arg6[%dma_wait3A_587] : memref<13312xi32, #tpu.memory_space<vmem>> -> memref<512xi32, #tpu.memory_space<vmem>>
    %dma_wait3A_589 = tpu.memref_slice %arg2[%dma_wait3A_586, %mul3A_2] : memref<26x16384xi32, #tpu.memory_space<hbm>> -> memref<1x512xi32, #tpu.memory_space<hbm>>
    %dma_wait3A_590 = tpu.memref_squeeze %dma_wait3A_589 : memref<1x512xi32, #tpu.memory_space<hbm>> -> memref<512xi32, #tpu.memory_space<hbm>>
    %dma_wait3A_591 = arith.constant 12288 : i32
    %dma_wait3A_592 = tpu.memref_slice %arg6[%dma_wait3A_591] : memref<13312xi32, #tpu.memory_space<vmem>> -> memref<512xi32, #tpu.memory_space<vmem>>
    %dma_wait3A_593 = tpu.memref_slice %arg2[%dma_wait3A_586, %mul3A_2] : memref<26x16384xi32, #tpu.memory_space<hbm>> -> memref<1x512xi32, #tpu.memory_space<hbm>>
    %dma_wait3A_594 = tpu.memref_squeeze %dma_wait3A_593 : memref<1x512xi32, #tpu.memory_space<hbm>> -> memref<512xi32, #tpu.memory_space<hbm>>
    tpu.wait_dma2 semaphore(%arg15 : memref<!tpu.dma_semaphore, #tpu.memory_space<semaphore_mem>>) src(%dma_wait3A_594 : memref<512xi32, #tpu.memory_space<hbm>>) dst(%dma_wait3A_592 : memref<512xi32, #tpu.memory_space<vmem>>)
    %dma_wait3A_595 = arith.constant 25 : i32
    %dma_wait3A_596 = arith.constant 12800 : i32
    %dma_wait3A_597 = tpu.memref_slice %arg6[%dma_wait3A_596] : memref<13312xi32, #tpu.memory_space<vmem>> -> memref<512xi32, #tpu.memory_space<vmem>>
    %dma_wait3A_598 = tpu.memref_slice %arg2[%dma_wait3A_595, %mul3A_2] : memref<26x16384xi32, #tpu.memory_space<hbm>> -> memref<1x512xi32, #tpu.memory_space<hbm>>
    %dma_wait3A_599 = tpu.memref_squeeze %dma_wait3A_598 : memref<1x512xi32, #tpu.memory_space<hbm>> -> memref<512xi32, #tpu.memory_space<hbm>>
    %dma_wait3A_600 = arith.constant 12800 : i32
    %dma_wait3A_601 = tpu.memref_slice %arg6[%dma_wait3A_600] : memref<13312xi32, #tpu.memory_space<vmem>> -> memref<512xi32, #tpu.memory_space<vmem>>
    %dma_wait3A_602 = tpu.memref_slice %arg2[%dma_wait3A_595, %mul3A_2] : memref<26x16384xi32, #tpu.memory_space<hbm>> -> memref<1x512xi32, #tpu.memory_space<hbm>>
    %dma_wait3A_603 = tpu.memref_squeeze %dma_wait3A_602 : memref<1x512xi32, #tpu.memory_space<hbm>> -> memref<512xi32, #tpu.memory_space<hbm>>
    tpu.wait_dma2 semaphore(%arg15 : memref<!tpu.dma_semaphore, #tpu.memory_space<semaphore_mem>>) src(%dma_wait3A_603 : memref<512xi32, #tpu.memory_space<hbm>>) dst(%dma_wait3A_601 : memref<512xi32, #tpu.memory_space<vmem>>)
    %barrier3A = arith.constant 0 : index
    tpu.barrier barrier_id(%barrier3A)
    %dma_start3A_604 = arith.constant 0 : i32
    %dma_start3A_605 = tpu.memref_slice %arg12[%dma_start3A_604] : memref<1040000xf32, #tpu.memory_space<vmem_shared>> -> memref<1040000xf32, #tpu.memory_space<vmem_shared>>
    tpu.enqueue_indirect_dma source(%dma_start3A_605 : memref<1040000xf32, #tpu.memory_space<vmem_shared>>) target(%arg7 : memref<13312xf32, #tpu.memory_space<vmem>>) offsets(%arg6 : memref<13312xi32, #tpu.memory_space<vmem>>) semaphore(%arg13 : memref<!tpu.dma_semaphore, #tpu.memory_space<semaphore_mem>>)
    %dma_wait3A_606 = arith.constant 0 : i32
    %dma_wait3A_607 = tpu.memref_slice %arg12[%dma_wait3A_606] : memref<1040000xf32, #tpu.memory_space<vmem_shared>> -> memref<1040000xf32, #tpu.memory_space<vmem_shared>>
    tpu.wait_indirect_dma semaphore(%arg13 : memref<!tpu.dma_semaphore, #tpu.memory_space<semaphore_mem>>) src(%dma_wait3A_607 : memref<1040000xf32, #tpu.memory_space<vmem_shared>>) dst(%arg7 : memref<13312xf32, #tpu.memory_space<vmem>>)
    %dma_wait3A_608 = arith.constant 0 : i32
    %dma_wait3A_609 = tpu.memref_slice %arg4[%dma_wait3A_608] : memref<1xf32, #tpu.memory_space<hbm>> -> memref<1xf32, #tpu.memory_space<hbm>>
    tpu.wait_indirect_dma semaphore(%arg15 : memref<!tpu.dma_semaphore, #tpu.memory_space<semaphore_mem>>) src(%dma_wait3A_609 : memref<1xf32, #tpu.memory_space<hbm>>) dst(%arg9 : memref<16xf32, #tpu.memory_space<vmem>>)
    %get3A = arith.constant 0 : index
    %get3A_610 = tpu.vector_load %arg9[%get3A] {strides = array<i32>} : memref<16xf32, #tpu.memory_space<vmem>>, vector<16xf32>,
    %scan3A = arith.constant 0 : i32
    %scan3A_611 = arith.constant 32 : i32
    %scan3A_612 = arith.addi %scan3A, %scan3A_611 : i32
    %scan3A_613 = arith.constant 1 : i32
    scf.for %scan3A_615 = %scan3A to %scan3A_612 step %scan3A_613  : i32 {
      %mul3A_616 = arith.constant 16 : i32
      %mul3A_617 = arith.muli %scan3A_615, %mul3A_616 : i32
      %add3A_618 = arith.constant 0 : i32
      %add3A_619 = arith.addi %add3A_618, %mul3A_617 : i32
      %get3A_620 = arith.index_cast %add3A_619 : i32 to index
      %get3A_621 = tpu.vector_load %arg7[%get3A_620] {strides = array<i32>} : memref<13312xf32, #tpu.memory_space<vmem>>, vector<16xf32>,
      %add3A_622 = arith.addf %get3A_610, %get3A_621 : vector<16xf32>
      %add3A_623 = arith.constant 512 : i32
      %add3A_624 = arith.addi %add3A_623, %mul3A_617 : i32
      %get3A_625 = arith.index_cast %add3A_624 : i32 to index
      %get3A_626 = tpu.vector_load %arg7[%get3A_625] {strides = array<i32>} : memref<13312xf32, #tpu.memory_space<vmem>>, vector<16xf32>,
      %add3A_627 = arith.addf %add3A_622, %get3A_626 : vector<16xf32>
      %add3A_628 = arith.constant 1024 : i32
      %add3A_629 = arith.addi %add3A_628, %mul3A_617 : i32
      %get3A_630 = arith.index_cast %add3A_629 : i32 to index
      %get3A_631 = tpu.vector_load %arg7[%get3A_630] {strides = array<i32>} : memref<13312xf32, #tpu.memory_space<vmem>>, vector<16xf32>,
      %add3A_632 = arith.addf %add3A_627, %get3A_631 : vector<16xf32>
      %add3A_633 = arith.constant 1536 : i32
      %add3A_634 = arith.addi %add3A_633, %mul3A_617 : i32
      %get3A_635 = arith.index_cast %add3A_634 : i32 to index
      %get3A_636 = tpu.vector_load %arg7[%get3A_635] {strides = array<i32>} : memref<13312xf32, #tpu.memory_space<vmem>>, vector<16xf32>,
      %add3A_637 = arith.addf %add3A_632, %get3A_636 : vector<16xf32>
      %add3A_638 = arith.constant 2048 : i32
      %add3A_639 = arith.addi %add3A_638, %mul3A_617 : i32
      %get3A_640 = arith.index_cast %add3A_639 : i32 to index
      %get3A_641 = tpu.vector_load %arg7[%get3A_640] {strides = array<i32>} : memref<13312xf32, #tpu.memory_space<vmem>>, vector<16xf32>,
      %add3A_642 = arith.addf %add3A_637, %get3A_641 : vector<16xf32>
      %add3A_643 = arith.constant 2560 : i32
      %add3A_644 = arith.addi %add3A_643, %mul3A_617 : i32
      %get3A_645 = arith.index_cast %add3A_644 : i32 to index
      %get3A_646 = tpu.vector_load %arg7[%get3A_645] {strides = array<i32>} : memref<13312xf32, #tpu.memory_space<vmem>>, vector<16xf32>,
      %add3A_647 = arith.addf %add3A_642, %get3A_646 : vector<16xf32>
      %add3A_648 = arith.constant 3072 : i32
      %add3A_649 = arith.addi %add3A_648, %mul3A_617 : i32
      %get3A_650 = arith.index_cast %add3A_649 : i32 to index
      %get3A_651 = tpu.vector_load %arg7[%get3A_650] {strides = array<i32>} : memref<13312xf32, #tpu.memory_space<vmem>>, vector<16xf32>,
      %add3A_652 = arith.addf %add3A_647, %get3A_651 : vector<16xf32>
      %add3A_653 = arith.constant 3584 : i32
      %add3A_654 = arith.addi %add3A_653, %mul3A_617 : i32
      %get3A_655 = arith.index_cast %add3A_654 : i32 to index
      %get3A_656 = tpu.vector_load %arg7[%get3A_655] {strides = array<i32>} : memref<13312xf32, #tpu.memory_space<vmem>>, vector<16xf32>,
      %add3A_657 = arith.addf %add3A_652, %get3A_656 : vector<16xf32>
      %add3A_658 = arith.constant 4096 : i32
      %add3A_659 = arith.addi %add3A_658, %mul3A_617 : i32
      %get3A_660 = arith.index_cast %add3A_659 : i32 to index
      %get3A_661 = tpu.vector_load %arg7[%get3A_660] {strides = array<i32>} : memref<13312xf32, #tpu.memory_space<vmem>>, vector<16xf32>,
      %add3A_662 = arith.addf %add3A_657, %get3A_661 : vector<16xf32>
      %add3A_663 = arith.constant 4608 : i32
      %add3A_664 = arith.addi %add3A_663, %mul3A_617 : i32
      %get3A_665 = arith.index_cast %add3A_664 : i32 to index
      %get3A_666 = tpu.vector_load %arg7[%get3A_665] {strides = array<i32>} : memref<13312xf32, #tpu.memory_space<vmem>>, vector<16xf32>,
      %add3A_667 = arith.addf %add3A_662, %get3A_666 : vector<16xf32>
      %add3A_668 = arith.constant 5120 : i32
      %add3A_669 = arith.addi %add3A_668, %mul3A_617 : i32
      %get3A_670 = arith.index_cast %add3A_669 : i32 to index
      %get3A_671 = tpu.vector_load %arg7[%get3A_670] {strides = array<i32>} : memref<13312xf32, #tpu.memory_space<vmem>>, vector<16xf32>,
      %add3A_672 = arith.addf %add3A_667, %get3A_671 : vector<16xf32>
      %add3A_673 = arith.constant 5632 : i32
      %add3A_674 = arith.addi %add3A_673, %mul3A_617 : i32
      %get3A_675 = arith.index_cast %add3A_674 : i32 to index
      %get3A_676 = tpu.vector_load %arg7[%get3A_675] {strides = array<i32>} : memref<13312xf32, #tpu.memory_space<vmem>>, vector<16xf32>,
      %add3A_677 = arith.addf %add3A_672, %get3A_676 : vector<16xf32>
      %add3A_678 = arith.constant 6144 : i32
      %add3A_679 = arith.addi %add3A_678, %mul3A_617 : i32
      %get3A_680 = arith.index_cast %add3A_679 : i32 to index
      %get3A_681 = tpu.vector_load %arg7[%get3A_680] {strides = array<i32>} : memref<13312xf32, #tpu.memory_space<vmem>>, vector<16xf32>,
      %add3A_682 = arith.addf %add3A_677, %get3A_681 : vector<16xf32>
      %add3A_683 = arith.constant 6656 : i32
      %add3A_684 = arith.addi %add3A_683, %mul3A_617 : i32
      %get3A_685 = arith.index_cast %add3A_684 : i32 to index
      %get3A_686 = tpu.vector_load %arg7[%get3A_685] {strides = array<i32>} : memref<13312xf32, #tpu.memory_space<vmem>>, vector<16xf32>,
      %add3A_687 = arith.addf %add3A_682, %get3A_686 : vector<16xf32>
      %add3A_688 = arith.constant 7168 : i32
      %add3A_689 = arith.addi %add3A_688, %mul3A_617 : i32
      %get3A_690 = arith.index_cast %add3A_689 : i32 to index
      %get3A_691 = tpu.vector_load %arg7[%get3A_690] {strides = array<i32>} : memref<13312xf32, #tpu.memory_space<vmem>>, vector<16xf32>,
      %add3A_692 = arith.addf %add3A_687, %get3A_691 : vector<16xf32>
      %add3A_693 = arith.constant 7680 : i32
      %add3A_694 = arith.addi %add3A_693, %mul3A_617 : i32
      %get3A_695 = arith.index_cast %add3A_694 : i32 to index
      %get3A_696 = tpu.vector_load %arg7[%get3A_695] {strides = array<i32>} : memref<13312xf32, #tpu.memory_space<vmem>>, vector<16xf32>,
      %add3A_697 = arith.addf %add3A_692, %get3A_696 : vector<16xf32>
      %add3A_698 = arith.constant 8192 : i32
      %add3A_699 = arith.addi %add3A_698, %mul3A_617 : i32
      %get3A_700 = arith.index_cast %add3A_699 : i32 to index
      %get3A_701 = tpu.vector_load %arg7[%get3A_700] {strides = array<i32>} : memref<13312xf32, #tpu.memory_space<vmem>>, vector<16xf32>,
      %add3A_702 = arith.addf %add3A_697, %get3A_701 : vector<16xf32>
      %add3A_703 = arith.constant 8704 : i32
      %add3A_704 = arith.addi %add3A_703, %mul3A_617 : i32
      %get3A_705 = arith.index_cast %add3A_704 : i32 to index
      %get3A_706 = tpu.vector_load %arg7[%get3A_705] {strides = array<i32>} : memref<13312xf32, #tpu.memory_space<vmem>>, vector<16xf32>,
      %add3A_707 = arith.addf %add3A_702, %get3A_706 : vector<16xf32>
      %add3A_708 = arith.constant 9216 : i32
      %add3A_709 = arith.addi %add3A_708, %mul3A_617 : i32
      %get3A_710 = arith.index_cast %add3A_709 : i32 to index
      %get3A_711 = tpu.vector_load %arg7[%get3A_710] {strides = array<i32>} : memref<13312xf32, #tpu.memory_space<vmem>>, vector<16xf32>,
      %add3A_712 = arith.addf %add3A_707, %get3A_711 : vector<16xf32>
      %add3A_713 = arith.constant 9728 : i32
      %add3A_714 = arith.addi %add3A_713, %mul3A_617 : i32
      %get3A_715 = arith.index_cast %add3A_714 : i32 to index
      %get3A_716 = tpu.vector_load %arg7[%get3A_715] {strides = array<i32>} : memref<13312xf32, #tpu.memory_space<vmem>>, vector<16xf32>,
      %add3A_717 = arith.addf %add3A_712, %get3A_716 : vector<16xf32>
      %add3A_718 = arith.constant 10240 : i32
      %add3A_719 = arith.addi %add3A_718, %mul3A_617 : i32
      %get3A_720 = arith.index_cast %add3A_719 : i32 to index
      %get3A_721 = tpu.vector_load %arg7[%get3A_720] {strides = array<i32>} : memref<13312xf32, #tpu.memory_space<vmem>>, vector<16xf32>,
      %add3A_722 = arith.addf %add3A_717, %get3A_721 : vector<16xf32>
      %add3A_723 = arith.constant 10752 : i32
      %add3A_724 = arith.addi %add3A_723, %mul3A_617 : i32
      %get3A_725 = arith.index_cast %add3A_724 : i32 to index
      %get3A_726 = tpu.vector_load %arg7[%get3A_725] {strides = array<i32>} : memref<13312xf32, #tpu.memory_space<vmem>>, vector<16xf32>,
      %add3A_727 = arith.addf %add3A_722, %get3A_726 : vector<16xf32>
      %add3A_728 = arith.constant 11264 : i32
      %add3A_729 = arith.addi %add3A_728, %mul3A_617 : i32
      %get3A_730 = arith.index_cast %add3A_729 : i32 to index
      %get3A_731 = tpu.vector_load %arg7[%get3A_730] {strides = array<i32>} : memref<13312xf32, #tpu.memory_space<vmem>>, vector<16xf32>,
      %add3A_732 = arith.addf %add3A_727, %get3A_731 : vector<16xf32>
      %add3A_733 = arith.constant 11776 : i32
      %add3A_734 = arith.addi %add3A_733, %mul3A_617 : i32
      %get3A_735 = arith.index_cast %add3A_734 : i32 to index
      %get3A_736 = tpu.vector_load %arg7[%get3A_735] {strides = array<i32>} : memref<13312xf32, #tpu.memory_space<vmem>>, vector<16xf32>,
      %add3A_737 = arith.addf %add3A_732, %get3A_736 : vector<16xf32>
      %add3A_738 = arith.constant 12288 : i32
      %add3A_739 = arith.addi %add3A_738, %mul3A_617 : i32
      %get3A_740 = arith.index_cast %add3A_739 : i32 to index
      %get3A_741 = tpu.vector_load %arg7[%get3A_740] {strides = array<i32>} : memref<13312xf32, #tpu.memory_space<vmem>>, vector<16xf32>,
      %add3A_742 = arith.addf %add3A_737, %get3A_741 : vector<16xf32>
      %add3A_743 = arith.constant 12800 : i32
      %add3A_744 = arith.addi %add3A_743, %mul3A_617 : i32
      %get3A_745 = arith.index_cast %add3A_744 : i32 to index
      %get3A_746 = tpu.vector_load %arg7[%get3A_745] {strides = array<i32>} : memref<13312xf32, #tpu.memory_space<vmem>>, vector<16xf32>,
      %add3A_747 = arith.addf %add3A_742, %get3A_746 : vector<16xf32>
      %swap3A = arith.index_cast %mul3A_617 : i32 to index
      %swap3A_748 = tpu.vector_load %arg8[%swap3A] {strides = array<i32>} : memref<512xf32, #tpu.memory_space<vmem>>, vector<16xf32>,
      tpu.vector_store %arg8[%swap3A], %add3A_747 {strides = array<i32>} : memref<512xf32, #tpu.memory_space<vmem>>, vector<16xf32>,
    }
    %scan3A_614 = arith.constant 32 : i32
    %run_scoped3A = arith.constant 0 : i32
    "tpu.region"() ({
      %run_scoped3A_615 = tpu.sem_alloc : memref<!tpu.dma_semaphore, #tpu.memory_space<semaphore_mem>>
      %dma_start3A_616 = arith.constant 0 : i32
      %dma_start3A_617 = tpu.memref_slice %arg5[%run_scoped3A, %dma_start3A_616] : memref<1x16384xf32, #tpu.memory_space<hbm>> -> memref<1x16384xf32, #tpu.memory_space<hbm>>
      %dma_start3A_618 = tpu.memref_squeeze %dma_start3A_617 : memref<1x16384xf32, #tpu.memory_space<hbm>> -> memref<16384xf32, #tpu.memory_space<hbm>>
      %dma_start3A_619 = tpu.memref_slice %dma_start3A_618[%mul3A_2] : memref<16384xf32, #tpu.memory_space<hbm>> -> memref<512xf32, #tpu.memory_space<hbm>>
      %dma_start3A_620 = arith.constant 0 : i32
      %dma_start3A_621 = tpu.memref_slice %arg5[%run_scoped3A, %dma_start3A_620] : memref<1x16384xf32, #tpu.memory_space<hbm>> -> memref<1x16384xf32, #tpu.memory_space<hbm>>
      %dma_start3A_622 = tpu.memref_squeeze %dma_start3A_621 : memref<1x16384xf32, #tpu.memory_space<hbm>> -> memref<16384xf32, #tpu.memory_space<hbm>>
      %dma_start3A_623 = tpu.memref_slice %dma_start3A_622[%mul3A_2] : memref<16384xf32, #tpu.memory_space<hbm>> -> memref<512xf32, #tpu.memory_space<hbm>>
      tpu.enqueue_dma source(%arg8 : memref<512xf32, #tpu.memory_space<vmem>>) target(%dma_start3A_623 : memref<512xf32, #tpu.memory_space<hbm>>) target_semaphore(%run_scoped3A_615 : memref<!tpu.dma_semaphore, #tpu.memory_space<semaphore_mem>>)
      %dma_wait3A_624 = arith.constant 0 : i32
      %dma_wait3A_625 = tpu.memref_slice %arg5[%run_scoped3A, %dma_wait3A_624] : memref<1x16384xf32, #tpu.memory_space<hbm>> -> memref<1x16384xf32, #tpu.memory_space<hbm>>
      %dma_wait3A_626 = tpu.memref_squeeze %dma_wait3A_625 : memref<1x16384xf32, #tpu.memory_space<hbm>> -> memref<16384xf32, #tpu.memory_space<hbm>>
      %dma_wait3A_627 = tpu.memref_slice %dma_wait3A_626[%mul3A_2] : memref<16384xf32, #tpu.memory_space<hbm>> -> memref<512xf32, #tpu.memory_space<hbm>>
      %dma_wait3A_628 = arith.constant 0 : i32
      %dma_wait3A_629 = tpu.memref_slice %arg5[%run_scoped3A, %dma_wait3A_628] : memref<1x16384xf32, #tpu.memory_space<hbm>> -> memref<1x16384xf32, #tpu.memory_space<hbm>>
      %dma_wait3A_630 = tpu.memref_squeeze %dma_wait3A_629 : memref<1x16384xf32, #tpu.memory_space<hbm>> -> memref<16384xf32, #tpu.memory_space<hbm>>
      %dma_wait3A_631 = tpu.memref_slice %dma_wait3A_630[%mul3A_2] : memref<16384xf32, #tpu.memory_space<hbm>> -> memref<512xf32, #tpu.memory_space<hbm>>
      tpu.wait_dma2 semaphore(%run_scoped3A_615 : memref<!tpu.dma_semaphore, #tpu.memory_space<semaphore_mem>>) src(%arg8 : memref<512xf32, #tpu.memory_space<vmem>>) dst(%dma_wait3A_631 : memref<512xf32, #tpu.memory_space<hbm>>)
      tpu.yield
    }) : () -> ()
    return
  }
}

</mosaic_0001>

<sc_bundles>
// kernel: kernel.3.cloned.1.call-start
scs
__scs_entry_jumppad:
0x0: {  	(pc) =	sbr.rel $0x88, $3  }
0x1: {  	(tag) =	ssettag $0x0;
	lr =	simm.s32 $0x1  }
0x2: {  	[smem:$0x3F9E] =	sst lr;
	_ =	strace $0xD0000000  }
0x3: {  	_ = 	snop  }
0x4: {  	_ = 	snop  }
0x5: {  	_ = 	snop  }
0x6: {  	_ = 	snop  }
0x7: {  	_ = 	snop  }
__scs_overlays_trampoline_lowered:
0x8: {  	[smem:$0x3FAD] =	sst s0  }
0x9: {  	[smem:$0x3FAE] =	sst s1  }
0xa: {  	[smem:$0x3FAF] =	sst s2  }
0xb: {  	[smem:$0x3FB0] =	sst s3  }
0xc: {  	[smem:$0x3FB1] =	sst s4  }
0xd: {  	[smem:$0x3FB2] =	sst s5  }
0xe: {  	[smem:$0x3FB3] =	sst s6  }
0xf: {  	[smem:$0x3FB4] =	sst s7  }
0x10: {  	[smem:$0x3FB5] =	sst s8  }
0x11: {  	[smem:$0x3FB6] =	sst s9;
	s0 =	simm.s32 @!p0 $0x0  }
0x12: {  	s1 =	sld [smem:$0x3F9C];
	s0 =	simm.s32 @p0 $0x1  }
0x13: {  	[smem:$0x3FB7] =	sst s0;
	s0 =	simm.s32 @!p1 $0x0  }
0x14: {  	s2 =	sld [smem:$0x3F9B];
	s0 =	simm.s32 @p1 $0x1  }
0x15: {  	[smem:$0x3FB8] =	sst s0;
	s0 =	simm.s32 @!p2 $0x0  }
0x16: {  	s3 =	sld [smem:$0x3FDB];
	s0 =	simm.s32 @p2 $0x1  }
0x17: {  	s4 =	simm.s32 $0x1BF5;
	[smem:$0x3FBA] =	sst s0  }
0x18: {  	s0 =	sld [smem:$0x3F9D];
	_ =	swait.ge [sflag:s4], $0x0  }
0x19: {  	s7 =	sld [smem:$0x3F9E]  }
0x1a: {  	s8 =	sadd.s32 $0xFFFFE003, lr  }
0x1b: {  	s9 =	sadd.s32 $0xFFFFFEF7, lr;
	s5 =	simm.s32 $0xFFFFFFFF;
	p2 =	slt.u32 s8, $0xFFFFF086  }
0x1c: {  	p1 =	slt.u32 s9, $0xF7A;
	s5 =	simm.s32 @!p2 $0x0  }
0x1d: {  	s5 =	simm.s32 @p1 $0x1;
	p0 =	seq.s32 s7, s2  }
0x1e: {  	s7 =	smul.u32 @!p0 $0xF7A, s2;
	p2 =	seq.s32 @!p0 s5, $0x0  }
0x1f: {  	s9 =	smul.u32 $0xF7A, s1;
	s8 =	simm.s32 @!p0 $0x1BF5;
	p2 =	por !p2, p0  }
0x20: {  	[sflag:s8] =	ssyncset.s32 @!p0 $0xFFFFF086;
	s6 =	sadd.s32 @!p0 s3, s7;
	s7 =	simm.s32 @!p0 $0x108  }
0x21: {  	s3 =	sadd.s32 s3, s9;
	s6 =	sadd.s32 @!p0 $0x88, s6;
	s7 =	simm.s32 @p2 $0x1082  }
0x22: {  	[simem:s7], [sflag:s8] =	dma.local @!p0 [hbm:s6], $0xF7A  }
0x23: {  	s9 =	sor.u32 $0xD0000000, s2;
	s6 =	simm.s32 $0x108;
	_ =	swait.ge @!p0 [sflag:s8], $0x0  }
0x24: {  	s3 =	sadd.s32 $0x88, s3;
	s6 =	simm.s32 @!p1 $0x1082;
	[sflag:s4] =	ssyncset.s32 $0xFFFFF086  }
0x25: {  	[simem:s6], [sflag:s4] =	dma.local [hbm:s3], $0xF7A  }
0x26: {  	[smem:$0x3F9E] =	sst s1;
	(tag) =	ssettag s2;
	_ =	strace s9  }
0x27: {  	s1 =	sld [smem:$0x3FAE]  }
0x28: {  	s2 =	sld [smem:$0x3FAF]  }
0x29: {  	s4 =	sld [smem:$0x3FB1]  }
0x2a: {  	p0 =	seq.s32 s5, $0x0;
	s5 =	sld [smem:$0x3FB2]  }
0x2b: {  	s6 =	sld [smem:$0x3FB3]  }
0x2c: {  	s7 =	sld [smem:$0x3FB4]  }
0x2d: {  	s3 =	simm.s32 $0x108;
	s8 =	sld [smem:$0x3FB5]  }
0x2e: {  	s3 =	simm.s32 @!p0 $0x1082;
	s9 =	sld [smem:$0x3FB6]  }
0x2f: {  	lr =	sadd.s32 s0, s3;
	s0 =	sld [smem:$0x3FAD]  }
0x30: {  	s3 =	sld [smem:$0x3FB0]  }
0x31: {  	[smem:$0x3FB9] =	sst s10  }
0x32: {  	s10 =	sld [smem:$0x3FB7];
	_ =	sdelay $0x3  }
0x33: {  	p0 =	seq.s32 s10, $0x1;
	s10 =	sld [smem:$0x3FB9];
	_ =	sdelay $0x3  }
0x34: {  	[smem:$0x3FB9] =	sst s10  }
0x35: {  	s10 =	sld [smem:$0x3FB8];
	_ =	sdelay $0x3  }
0x36: {  	p1 =	seq.s32 s10, $0x1;
	s10 =	sld [smem:$0x3FB9];
	_ =	sdelay $0x3  }
0x37: {  	[smem:$0x3FB9] =	sst s10  }
0x38: {  	s10 =	sld [smem:$0x3FBA]  }
0x39: {  	_ = 	snop;
	(pc) =	sbr.ind lr, $3  }
0x3a: {  	_ = 	snop  }
0x3b: {  	_ = 	snop  }
0x3c: {  	p2 =	seq.s32 s10, $0x1;
	s10 =	sld [smem:$0x3FB9]  }
0x3d: {  	_ =	shalt  }
0x3e: {  	_ =	shalt  }
0x3f: {  	_ =	shalt  }
0x40: {  	_ =	shalt  }
0x41: {  	_ =	shalt  }
0x42: {  	_ =	shalt  }
0x43: {  	_ =	shalt  }
0x44: {  	_ =	shalt  }
0x45: {  	_ =	shalt  }
0x46: {  	_ =	shalt  }
0x47: {  	_ =	shalt  }
0x48: {  	_ =	shalt  }
0x49: {  	_ =	shalt  }
0x4a: {  	_ =	shalt  }
0x4b: {  	_ =	shalt  }
0x4c: {  	_ =	shalt  }
0x4d: {  	_ =	shalt  }
0x4e: {  	_ =	shalt  }
0x4f: {  	_ =	shalt  }
0x50: {  	_ =	shalt  }
0x51: {  	_ =	shalt  }
0x52: {  	_ =	shalt  }
0x53: {  	_ =	shalt  }
0x54: {  	_ =	shalt  }
0x55: {  	_ =	shalt  }
0x56: {  	_ =	shalt  }
0x57: {  	_ =	shalt  }
0x58: {  	_ =	shalt  }
0x59: {  	_ =	shalt  }
0x5a: {  	_ =	shalt  }
0x5b: {  	_ =	shalt  }
0x5c: {  	_ =	shalt  }
0x5d: {  	_ =	shalt  }
0x5e: {  	_ =	shalt  }
0x5f: {  	_ =	shalt  }
0x60: {  	_ =	shalt  }
0x61: {  	_ =	shalt  }
0x62: {  	_ =	shalt  }
0x63: {  	_ =	shalt  }
0x64: {  	_ =	shalt  }
0x65: {  	_ =	shalt  }
0x66: {  	_ =	shalt  }
0x67: {  	_ =	shalt  }
0x68: {  	_ =	shalt  }
0x69: {  	_ =	shalt  }
0x6a: {  	_ =	shalt  }
0x6b: {  	_ =	shalt  }
0x6c: {  	_ =	shalt  }
0x6d: {  	_ =	shalt  }
0x6e: {  	_ =	shalt  }
0x6f: {  	_ =	shalt  }
0x70: {  	_ =	shalt  }
0x71: {  	_ =	shalt  }
0x72: {  	_ =	shalt  }
0x73: {  	_ =	shalt  }
0x74: {  	_ =	shalt  }
0x75: {  	_ =	shalt  }
0x76: {  	_ =	shalt  }
0x77: {  	_ =	shalt  }
0x78: {  	_ =	shalt  }
0x79: {  	_ =	shalt  }
0x7a: {  	_ =	shalt  }
0x7b: {  	_ =	shalt  }
0x7c: {  	_ =	shalt  }
0x7d: {  	_ =	shalt  }
0x7e: {  	_ =	shalt  }
0x7f: {  	_ =	shalt  }
0x80: {  	_ =	shalt  }
0x81: {  	_ =	shalt  }
0x82: {  	_ =	shalt  }
0x83: {  	_ =	shalt  }
0x84: {  	_ =	shalt  }
0x85: {  	_ =	shalt  }
0x86: {  	_ =	shalt  }
0x87: {  	_ =	shalt  }
.Lfunc_end0:
.L_simem_size_0:
called_computation_lowered:
.L_overlay_start_0:
0x88: {  	s2 =	sld [smem:$0x3FD9]  }
0x89: {  	s3 =	sld [smem:$0x3FFE];
	_ =	sdelay $0x1  }
0x8a: {  	s1 =	srdreg.scid  }
0x8b: {  	s0 =	sand.u32 $0x1, s1  }
0x8c: {  	s18 =	sshll.u32 s0, $0xA;
	s2 =	sadd.s32 s3, s2  }
0x8d: {  	s2 =	sadd.s32 s2, s18  }
0x8e: {  	[smem:$0x3FC5] =	sst s2  }
0x8f: {  	_ = 	snop  }
0x90: {  	s2 =	sld [smem:$0x3FC9]  }
0x91: {  	s19 =	sld [smem:$0x3FC8]  }
0x92: {  	s4 =	sld [smem:$0x3FC7]  }
0x93: {  	s5 =	sld [smem:$0x3FD0];
	(tm) =	ssettm $0x1  }
0x94: {  	s6 =	sld [smem:$0x3FFB];
	_ =	sdelay $0x3  }
0x95: {  	_ =	strace s6  }
0x96: {  	s6 =	sld [smem:$0x3FFC];
	_ =	sdelay $0x3  }
0x97: {  	_ =	strace s6  }
0x98: {  	s6 =	sld [smem:$0x3FFD];
	_ =	sdelay $0x3  }
0x99: {  	_ =	strace s6  }
0x9a: {  	_ =	strace $0x8FFFFFFF  }
0x9b: {  	s20 =	sld [smem:$0x3FDB];
	_ =	sdelay $0x1  }
0x9c: {  	s7 =	simm.s32 $_scs_section_size  }
0x9d: {  	s8 =	simm.s32 $_size__tile_overlayer_lowered;
	s9 =	simm.s32 $_tile_overlayer_lowered  }
0x9e: {  	s23 =	simm.s32 $0x1BFF;
	s22 =	sshll.u32 s9, $0x1;
	s6 =	sadd.s32 s7, s20  }
0x9f: {  	s10 =	simm.s32 $0x0;
	s21 =	sshll.u32 s8, $0x1;
	s8 =	sadd.s32 s22, s6  }
0xa0: {  	[timem:s10], [sflag:s23] =	dma.local [hbm:s8], s21  }
0xa1: {  	_ =	swait.ge [sflag:s23], s21  }
0xa2: {  	s7 =	ssub.s32 $0x0, s21;
	[sflag:s23] =	ssyncset.done $0x0  }
0xa3: {  	[sflag:s23] =	ssyncadd.s32 s7;
	_ =	sdelay $0x1  }
0xa4: {  	s24 =	simm.s32 $0x1B8B  }
0xa5: {  	_ =	swait.ge [sflag:s24], $0x1  }
0xa6: {  	[sflag:s24] =	ssyncset.done $0x0  }
0xa7: {  	s25 =	simm.s32 $0x1B8E;
	[sflag:s24] =	ssyncadd.s32 $0xFFFFFFFF  }
0xa8: {  	s26 =	simm.s32 $execute0_lowered;
	[smem:$0x3FD2] =	sst s25  }
0xa9: {  	s7 =	sshll.u32 s26, $0x1;
	_ =	strace $0x80000046;
	[dreg:$0x1] =	wrdreg $0xFFFFFFFF  }
0xaa: {  	s28 =	simm.s32 $_size_execute0_lowered;
	s6 =	sadd.s32 s6, s7;
	[dreg:$0x0] =	wrdreg $0x0  }
0xab: {  	s7 =	sshll.u32 s28, $0x1;
	[dreg:$0x2] =	wrdreg s6  }
0xac: {  	[dreg:$0x3] =	wrdreg s7  }
0xad: {  	[dreg:$0x4] =	wrdreg $0xC0  }
0xae: {  	_ =	task [dreg:s10], $0x5FFFF  }
0xaf: {  	[dreg:$0x1] =	wrdreg $0xFFFFFFFF  }
0xb0: {  	[dreg:$0x0] =	wrdreg $0x60  }
0xb1: {  	[dreg:$0x2] =	wrdreg s2  }
0xb2: {  	[dreg:$0x3] =	wrdreg s19  }
0xb3: {  	[dreg:$0x4] =	wrdreg s4  }
0xb4: {  	[dreg:$0x5] =	wrdreg s5  }
0xb5: {  	[dreg:$0x6] =	wrdreg $0xD0800  }
0xb6: {  	[dreg:$0x7] =	wrdreg $0x9  }
0xb7: {  	_ =	task.clear_ibuf [dreg:s10], $0x8FFFF;
	_ =	strace $0x90000046  }
0xb8: {  	s29 =	simm.s32 $0x9;
	_ =	strace $0x80000048  }
0xb9: {  	_ =	swait.ge [sflag:s29], $0x1  }
0xba: {  	[sflag:s29] =	ssyncadd.s32 $0xFFFFFFFF  }
0xbb: {  	_ =	strace $0x90000048  }
0xbc: {  	_ =	sfence  }
0xbd: {  	s30 =	sld [smem:$0x0];
	_ =	sdelay $0x2  }
0xbe: {  	s31 =	sshll.u32 s1, $0xD;
	s1 =	sshrl.u32 s1, $0x2  }
0xbf: {  	s3 =	sand.u32 $0x4000, s31;
	s1 =	sadd.s32 s1, s30  }
0xc0: {  	s0 =	sor.u32 s3, s0;
	s1 =	sshll.u32 s1, $0x11  }
0xc1: {  	s0 =	sor.u32 s1, s0  }
0xc2: {  	s0 =	sadd.s32 $0x8F2B, s0  }
0xc3: {  	[sflag:s0] =	ssyncadd.remote.s32 $0x1  }
0xc4: {  	_ =	sfence.sel $0xFFFF  }
0xc5: {  	[dreg:$0x0] =	wrdreg $0xFFFFFFFF;
	(pc) =	sbr.abs _section_cstart, $3  }
0xc6: {  	[dreg:$0x1] =	wrdreg $0xFFFFFFFF  }
0xc7: {  	_ =	task.clear_ibuf [dreg:s10], $0x2FFFF;
	_ =	strace $0x9FFFFFFF  }
0xc8: {  	(tm) =	ssettm $0x7FFFFFFF  }
0xc9: {  	_ =	shalt  }
tec
execute0_lowered:
.L_overlay_start_1:
0x0: {  	(tag) =	ssettag $0x1  }
0x1: {  	s0 =	rddreg [dreg:$0x0]  }
0x2: {  	s1 =	rddreg [dreg:$0x1]  }
0x3: {  	s2 =	rddreg [dreg:$0x3]  }
0x4: {  	s13 =	rddreg [dreg:$0x4];
	s3 =	srdreg.scid  }
0x5: {  	s8 =	stileid.u32;
	s4 =	simm.s32 $0x0;
	s3 =	sand.u32 $0x1, s3  }
0x6: {  	s5 =	sshll.u32 s8, $0xA;
	[smem:$0x7FF] =	sst s4;
	s28 =	smul.u32 $0xFDE8, s8  }
0x7: {  	s6 =	sshll.u32 s3, $0x9;
	s3 =	ssub.s32 $0x2, s3;
	_ =	strace $0x80000047  }
0x8: {  	s6 =	sor.u32 s6, s5;
	s7 =	sshrl.u32 s3, $0x1;
	s11 =	sshrl.u32 s28, $0x3  }
0x9: {  	s14 =	sadd.s32 $0x6590, s28;
	s15 =	sadd.s32 $0x9858, s28;
	s21 =	sadd.s32 s28, s13  }
0xa: {  	s5 =	sadd.s32 s0, s6;
	s0 =	ssub.s32 s3, s7;
	s7 =	sadd.s32 s1, s11  }
0xb: {  	s11 =	sshrl.u32 s15, $0x3;
	s19 =	sshrl.u32 s6, $0x3;
	[dreg:$0x14] =	wrdreg s21  }
0xc: {  	s23 =	sadd.s32 s14, s13;
	s24 =	sadd.s32 s15, s13;
	[dreg:$0xc] =	wrdreg s7  }
0xd: {  	s15 =	simm.s32 $0x400;
	s21 =	simm.s32 $0x6800;
	[dreg:$0x16] =	wrdreg s23  }
0xe: {  	s26 =	sadd.s32 $0x10, s5;
	s29 =	sadd.s32 $0x20, s5;
	[dreg:$0x17] =	wrdreg s24  }
0xf: {  	s8 =	sadd.s32 $0x30, s5;
	s9 =	sadd.s32 $0x40, s5;
	[dreg:$0x6] =	wrdreg s26  }
0x10: {  	s10 =	sadd.s32 $0x50, s5;
	s16 =	sadd.s32 s1, s11;
	[dreg:$0x7] =	wrdreg s29  }
0x11: {  	s18 =	sadd.s32 $0x70, s5;
	s20 =	sadd.s32 $0x4000, s5;
	[dreg:$0x8] =	wrdreg s8  }
0x12: {  	s0 =	smax.u32 s0, $0x1;
	s30 =	sadd.s32 $0x4040, s5;
	[dreg:$0x9] =	wrdreg s9  }
0x13: {  	s31 =	sadd.s32 $0x4050, s5;
	s3 =	sadd.s32 $0x8010, s5;
	[dreg:$0xa] =	wrdreg s10  }
0x14: {  	s6 =	sadd.s32 $0x8020, s5;
	s11 =	sadd.s32 $0x8070, s5;
	[dreg:$0xf] =	wrdreg s16  }
0x15: {  	s23 =	simm.s32 $0x0;
	s8 =	sadd.s32 $0x32C8, s28;
	[dreg:$0x11] =	wrdreg s18  }
0x16: {  	s9 =	sadd.s32 $0x60, s5;
	s10 =	sshrl.u32 s14, $0x3;
	[dreg:$0x13] =	wrdreg s20  }
0x17: {  	[dreg:$0x19] =	wrdreg s0;
	s26 =	sadd.s32 $0x4010, s5;
	s29 =	sadd.s32 $0x4030, s5  }
0x18: {  	s0 =	sadd.s32 $0x4060, s5;
	s14 =	simm.s32 $0x80;
	s16 =	simm.s32 $0x6A80  }
0x19: {  	s18 =	simm.s32 $0x9D80;
	s20 =	simm.s32 $0x3;
	[dreg:$0xb] =	wrdreg s9  }
0x1a: {  	s12 =	sshrl.u32 s8, $0x3;
	s10 =	sadd.s32 s1, s10;
	[dreg:$0x1a] =	wrdreg s26  }
0x1b: {  	s22 =	sadd.s32 s8, s13;
	[dreg:$0x1c] =	wrdreg s29;
	s8 =	sadd.s32 $0x8040, s5  }
0x1c: {  	s9 =	sadd.s32 $0x8050, s5;
	s7 =	sadd.s32 s1, s12;
	[dreg:$0xe] =	wrdreg s10  }
0x1d: {  	s12 =	sadd.s32 $0xCB20, s28;
	[dreg:$0x15] =	wrdreg s22;
	s28 =	sadd.s32 $0x4020, s5  }
0x1e: {  	s10 =	sadd.s32 $0x8060, s5;
	s22 =	simm.s32 $0x4;
	[dreg:$0xd] =	wrdreg s7  }
0x1f: {  	s17 =	sshrl.u32 s12, $0x3;
	s25 =	sadd.s32 s12, s13;
	[dreg:$0x1b] =	wrdreg s28  }
0x20: {  	s7 =	sadd.s32 $0x8030, s5;
	s12 =	sadd.s32 $0xC000, s5;
	s13 =	sadd.s32 $0xC010, s5  }
0x21: {  	s1 =	sadd.s32 s1, s17;
	[dreg:$0x18] =	wrdreg s25;
	s17 =	simm.s32 $0x1  }
0x22: {  	[dreg:$0x10] =	wrdreg s1;
	s1 =	sadd.s32 s2, s19;
	s2 =	sadd.s32 $0x4070, s5  }
0x23: {  	vm0 =	vmmov $0xffff;
	v0 =	vimm.s32 $0x0;
	s19 =	simm.s32 $0x2;
	[dreg:$0x12] =	wrdreg s1;
	s1 =	sadd.s32 $0x8000, s5  }
.LBB2_1:
0x24: {  	_ =	sdelay $0x2  }
0x25: {  	s24 =	rddreg [dreg:$0x2];
	s25 =	simm.s32 $0x6A00  }
0x26: {  	[tilespmem:s25], [sflag:$0x3] =	stream.indirect_vreg.gather [hbm4b:s24+s4], $0x1, v0, vm0, $0xb8;
	[tilespmem:$0x1CE68] =	vst v63  }
0x27: {  	_ = 	snop  }
0x28: {  	[tilespmem:s4], [sflag:$0x3] =	stream.strided.gather [hbm4b:s5+s14], $0x200, s15, s14, $0x38;
	[tilespmem:$0x1CE68] =	vst v63  }
0x29: {  	s26 =	rddreg [dreg:$0x6];
	s29 =	simm.s32 $0x200  }
0x2a: {  	[tilespmem:s29], [sflag:$0x3] =	stream.strided.gather [hbm4b:s26+s14], $0x200, s15, s14, $0x38;
	[tilespmem:$0x1CE68] =	vst v63  }
0x2b: {  	s25 =	rddreg [dreg:$0x7]  }
0x2c: {  	[tilespmem:s15], [sflag:$0x3] =	stream.strided.gather [hbm4b:s25+s14], $0x200, s15, s14, $0x38;
	[tilespmem:$0x1CE68] =	vst v63  }
0x2d: {  	s26 =	rddreg [dreg:$0x8];
	s29 =	simm.s32 $0x600  }
0x2e: {  	[tilespmem:s29], [sflag:$0x3] =	stream.strided.gather [hbm4b:s26+s14], $0x200, s15, s14, $0x38;
	[tilespmem:$0x1CE68] =	vst v63  }
0x2f: {  	s26 =	rddreg [dreg:$0x9];
	s29 =	simm.s32 $0x800  }
0x30: {  	[tilespmem:s29], [sflag:$0x3] =	stream.strided.gather [hbm4b:s26+s14], $0x200, s15, s14, $0x38;
	[tilespmem:$0x1CE68] =	vst v63  }
0x31: {  	s26 =	rddreg [dreg:$0xa];
	s29 =	simm.s32 $0xA00  }
0x32: {  	[tilespmem:s29], [sflag:$0x3] =	stream.strided.gather [hbm4b:s26+s14], $0x200, s15, s14, $0x38;
	[tilespmem:$0x1CE68] =	vst v63  }
0x33: {  	s26 =	rddreg [dreg:$0xb];
	s29 =	simm.s32 $0xC00  }
0x34: {  	[tilespmem:s29], [sflag:$0x3] =	stream.strided.gather [hbm4b:s26+s14], $0x200, s15, s14, $0x38;
	[tilespmem:$0x1CE68] =	vst v63  }
0x35: {  	s26 =	rddreg [dreg:$0x11];
	s29 =	simm.s32 $0xE00  }
0x36: {  	[tilespmem:s29], [sflag:$0x3] =	stream.strided.gather [hbm4b:s26+s14], $0x200, s15, s14, $0x38;
	[tilespmem:$0x1CE68] =	vst v63  }
0x37: {  	s26 =	rddreg [dreg:$0x13];
	s29 =	simm.s32 $0x1000  }
0x38: {  	[tilespmem:s29], [sflag:$0x3] =	stream.strided.gather [hbm4b:s26+s14], $0x200, s15, s14, $0x38;
	[tilespmem:$0x1CE68] =	vst v63  }
0x39: {  	s26 =	rddreg [dreg:$0x1a];
	s29 =	simm.s32 $0x1200  }
0x3a: {  	[tilespmem:s29], [sflag:$0x3] =	stream.strided.gather [hbm4b:s26+s14], $0x200, s15, s14, $0x38;
	[tilespmem:$0x1CE68] =	vst v63  }
0x3b: {  	s26 =	rddreg [dreg:$0x1b];
	s29 =	simm.s32 $0x1400  }
0x3c: {  	[tilespmem:s29], [sflag:$0x3] =	stream.strided.gather [hbm4b:s26+s14], $0x200, s15, s14, $0x38;
	[tilespmem:$0x1CE68] =	vst v63  }
0x3d: {  	s25 =	rddreg [dreg:$0x1c];
	s26 =	simm.s32 $0x1600  }
0x3e: {  	[tilespmem:s26], [sflag:$0x3] =	stream.strided.gather [hbm4b:s25+s14], $0x200, s15, s14, $0x38;
	[tilespmem:$0x1CE68] =	vst v63  }
0x3f: {  	s29 =	simm.s32 $0x1800  }
0x40: {  	[tilespmem:s29], [sflag:$0x3] =	stream.strided.gather [hbm4b:s30+s14], $0x200, s15, s14, $0x38;
	[tilespmem:$0x1CE68] =	vst v63  }
0x41: {  	s25 =	simm.s32 $0x1A00  }
0x42: {  	[tilespmem:s25], [sflag:$0x3] =	stream.strided.gather [hbm4b:s31+s14], $0x200, s15, s14, $0x38;
	[tilespmem:$0x1CE68] =	vst v63  }
0x43: {  	s26 =	simm.s32 $0x1C00  }
0x44: {  	[tilespmem:s26], [sflag:$0x3] =	stream.strided.gather [hbm4b:s0+s14], $0x200, s15, s14, $0x38;
	[tilespmem:$0x1CE68] =	vst v63  }
0x45: {  	s29 =	simm.s32 $0x1E00  }
0x46: {  	[tilespmem:s29], [sflag:$0x3] =	stream.strided.gather [hbm4b:s2+s14], $0x200, s15, s14, $0x38;
	[tilespmem:$0x1CE68] =	vst v63  }
0x47: {  	s25 =	simm.s32 $0x2000  }
0x48: {  	[tilespmem:s25], [sflag:$0x3] =	stream.strided.gather [hbm4b:s1+s14], $0x200, s15, s14, $0x38;
	[tilespmem:$0x1CE68] =	vst v63  }
0x49: {  	s26 =	simm.s32 $0x2200  }
0x4a: {  	[tilespmem:s26], [sflag:$0x3] =	stream.strided.gather [hbm4b:s3+s14], $0x200, s15, s14, $0x38;
	[tilespmem:$0x1CE68] =	vst v63  }
0x4b: {  	s29 =	simm.s32 $0x2400  }
0x4c: {  	[tilespmem:s29], [sflag:$0x3] =	stream.strided.gather [hbm4b:s6+s14], $0x200, s15, s14, $0x38;
	[tilespmem:$0x1CE68] =	vst v63  }
0x4d: {  	s25 =	simm.s32 $0x2600  }
0x4e: {  	[tilespmem:s25], [sflag:$0x3] =	stream.strided.gather [hbm4b:s7+s14], $0x200, s15, s14, $0x38;
	[tilespmem:$0x1CE68] =	vst v63  }
0x4f: {  	s26 =	simm.s32 $0x2800  }
0x50: {  	[tilespmem:s26], [sflag:$0x3] =	stream.strided.gather [hbm4b:s8+s14], $0x200, s15, s14, $0x38;
	[tilespmem:$0x1CE68] =	vst v63  }
0x51: {  	s29 =	simm.s32 $0x2A00  }
0x52: {  	[tilespmem:s29], [sflag:$0x3] =	stream.strided.gather [hbm4b:s9+s14], $0x200, s15, s14, $0x38;
	[tilespmem:$0x1CE68] =	vst v63  }
0x53: {  	s25 =	simm.s32 $0x2C00  }
0x54: {  	[tilespmem:s25], [sflag:$0x3] =	stream.strided.gather [hbm4b:s10+s14], $0x200, s15, s14, $0x38;
	[tilespmem:$0x1CE68] =	vst v63  }
0x55: {  	s26 =	simm.s32 $0x2E00  }
0x56: {  	[tilespmem:s26], [sflag:$0x3] =	stream.strided.gather [hbm4b:s11+s14], $0x200, s15, s14, $0x38;
	[tilespmem:$0x1CE68] =	vst v63  }
0x57: {  	s29 =	simm.s32 $0x3000  }
0x58: {  	[tilespmem:s29], [sflag:$0x3] =	stream.strided.gather [hbm4b:s12+s14], $0x200, s15, s14, $0x38;
	[tilespmem:$0x1CE68] =	vst v63  }
0x59: {  	s25 =	simm.s32 $0x3200  }
0x5a: {  	[tilespmem:s25], [sflag:$0x3] =	stream.strided.gather [hbm4b:s13+s14], $0x200, s15, s14, $0x38;
	[tilespmem:$0x1CE68] =	vst v63  }
0x5b: {  	s26 =	rddreg [dreg:$0xc]  }
0x5c: {  	[tilespmem:s16], [sflag:$0x1] =	stream.linear.gather [hbm4b:s26+s4], $0x32C8, $0x38;
	[tilespmem:$0x1CE68] =	vst v63  }
0x5d: {  	_ =	swait.ge [sflag:s17], $0x32C8  }
0x5e: {  	[sflag:s17] =	ssyncset.done $0x0  }
0x5f: {  	s29 =	rddreg [dreg:$0x14];
	[sflag:s17] =	ssyncadd.s32 $0xFFFFCD38  }
0x60: {  	[spmem:s29] =	stream.linear.scatter [tilespmem:s16], [sflag:$0x2], $0x32C8, $0x38;
	[tilespmem:$0x1CE68] =	vst v63  }
0x61: {  	s25 =	rddreg [dreg:$0xd]  }
0x62: {  	[tilespmem:s18], [sflag:$0x1] =	stream.linear.gather [hbm4b:s25+s4], $0x32C8, $0x38;
	[tilespmem:$0x1CE68] =	vst v63  }
0x63: {  	_ =	swait.ge [sflag:s17], $0x32C8  }
0x64: {  	[sflag:s17] =	ssyncset.done $0x0  }
0x65: {  	s26 =	rddreg [dreg:$0x15];
	[sflag:s17] =	ssyncadd.s32 $0xFFFFCD38  }
0x66: {  	[spmem:s26] =	stream.linear.scatter [tilespmem:s18], [sflag:$0x2], $0x32C8, $0x38;
	[tilespmem:$0x1CE68] =	vst v63  }
0x67: {  	_ =	swait.ge [sflag:s19], $0x32C8  }
0x68: {  	[sflag:s19] =	ssyncset.done $0x0  }
0x69: {  	s29 =	rddreg [dreg:$0xe];
	[sflag:s19] =	ssyncadd.s32 $0xFFFFCD38  }
0x6a: {  	[tilespmem:s16], [sflag:$0x1] =	stream.linear.gather [hbm4b:s29+s4], $0x32C8, $0x38;
	[tilespmem:$0x1CE68] =	vst v63  }
0x6b: {  	_ =	swait.ge [sflag:s17], $0x32C8  }
0x6c: {  	[sflag:s17] =	ssyncset.done $0x0  }
0x6d: {  	s25 =	rddreg [dreg:$0x16];
	[sflag:s17] =	ssyncadd.s32 $0xFFFFCD38  }
0x6e: {  	[spmem:s25] =	stream.linear.scatter [tilespmem:s16], [sflag:$0x2], $0x32C8, $0x38;
	[tilespmem:$0x1CE68] =	vst v63  }
0x6f: {  	_ =	swait.ge [sflag:s19], $0x32C8  }
0x70: {  	[sflag:s19] =	ssyncset.done $0x0  }
0x71: {  	s26 =	rddreg [dreg:$0xf];
	[sflag:s19] =	ssyncadd.s32 $0xFFFFCD38  }
0x72: {  	[tilespmem:s18], [sflag:$0x1] =	stream.linear.gather [hbm4b:s26+s4], $0x32C8, $0x38;
	[tilespmem:$0x1CE68] =	vst v63  }
0x73: {  	_ =	swait.ge [sflag:s17], $0x32C8  }
0x74: {  	[sflag:s17] =	ssyncset.done $0x0  }
0x75: {  	s29 =	rddreg [dreg:$0x17];
	[sflag:s17] =	ssyncadd.s32 $0xFFFFCD38  }
0x76: {  	[spmem:s29] =	stream.linear.scatter [tilespmem:s18], [sflag:$0x2], $0x32C8, $0x38;
	[tilespmem:$0x1CE68] =	vst v63  }
0x77: {  	_ =	swait.ge [sflag:s19], $0x32C8  }
0x78: {  	[sflag:s19] =	ssyncset.done $0x0  }
0x79: {  	s25 =	rddreg [dreg:$0x10];
	[sflag:s19] =	ssyncadd.s32 $0xFFFFCD38  }
0x7a: {  	[tilespmem:s16], [sflag:$0x1] =	stream.linear.gather [hbm4b:s25+s4], $0x32C8, $0x38;
	[tilespmem:$0x1CE68] =	vst v63  }
0x7b: {  	_ =	swait.ge [sflag:s17], $0x32C8  }
0x7c: {  	[sflag:s17] =	ssyncset.done $0x0  }
0x7d: {  	s26 =	rddreg [dreg:$0x18];
	[sflag:s17] =	ssyncadd.s32 $0xFFFFCD38  }
0x7e: {  	[spmem:s26] =	stream.linear.scatter [tilespmem:s16], [sflag:$0x2], $0x32C8, $0x38;
	[tilespmem:$0x1CE68] =	vst v63  }
0x7f: {  	_ =	swait.ge [sflag:s19], $0x32C8  }
0x80: {  	[sflag:s19] =	ssyncset.done $0x0  }
0x81: {  	[sflag:s19] =	ssyncadd.s32 $0xFFFFCD38  }
0x82: {  	_ =	swait.ge [sflag:s19], $0x32C8  }
0x83: {  	[sflag:s19] =	ssyncset.done $0x0  }
0x84: {  	[sflag:s19] =	ssyncadd.s32 $0xFFFFCD38  }
0x85: {  	_ =	swait.ge [sflag:s20], $0x200  }
0x86: {  	[sflag:s20] =	ssyncset.done $0x0  }
0x87: {  	[sflag:s20] =	ssyncadd.s32 $0xFFFFFE00  }
0x88: {  	_ =	swait.ge [sflag:s20], $0x200  }
0x89: {  	[sflag:s20] =	ssyncset.done $0x0  }
0x8a: {  	[sflag:s20] =	ssyncadd.s32 $0xFFFFFE00  }
0x8b: {  	_ =	swait.ge [sflag:s20], $0x200  }
0x8c: {  	[sflag:s20] =	ssyncset.done $0x0  }
0x8d: {  	[sflag:s20] =	ssyncadd.s32 $0xFFFFFE00  }
0x8e: {  	_ =	swait.ge [sflag:s20], $0x200  }
0x8f: {  	[sflag:s20] =	ssyncset.done $0x0  }
0x90: {  	[sflag:s20] =	ssyncadd.s32 $0xFFFFFE00  }
0x91: {  	_ =	swait.ge [sflag:s20], $0x200  }
0x92: {  	[sflag:s20] =	ssyncset.done $0x0  }
0x93: {  	[sflag:s20] =	ssyncadd.s32 $0xFFFFFE00  }
0x94: {  	_ =	swait.ge [sflag:s20], $0x200  }
0x95: {  	[sflag:s20] =	ssyncset.done $0x0  }
0x96: {  	[sflag:s20] =	ssyncadd.s32 $0xFFFFFE00  }
0x97: {  	_ =	swait.ge [sflag:s20], $0x200  }
0x98: {  	[sflag:s20] =	ssyncset.done $0x0  }
0x99: {  	[sflag:s20] =	ssyncadd.s32 $0xFFFFFE00  }
0x9a: {  	_ =	swait.ge [sflag:s20], $0x200  }
0x9b: {  	[sflag:s20] =	ssyncset.done $0x0  }
0x9c: {  	[sflag:s20] =	ssyncadd.s32 $0xFFFFFE00  }
0x9d: {  	_ =	swait.ge [sflag:s20], $0x200  }
0x9e: {  	[sflag:s20] =	ssyncset.done $0x0  }
0x9f: {  	[sflag:s20] =	ssyncadd.s32 $0xFFFFFE00  }
0xa0: {  	_ =	swait.ge [sflag:s20], $0x200  }
0xa1: {  	[sflag:s20] =	ssyncset.done $0x0  }
0xa2: {  	[sflag:s20] =	ssyncadd.s32 $0xFFFFFE00  }
0xa3: {  	_ =	swait.ge [sflag:s20], $0x200  }
0xa4: {  	[sflag:s20] =	ssyncset.done $0x0  }
0xa5: {  	[sflag:s20] =	ssyncadd.s32 $0xFFFFFE00  }
0xa6: {  	_ =	swait.ge [sflag:s20], $0x200  }
0xa7: {  	[sflag:s20] =	ssyncset.done $0x0  }
0xa8: {  	[sflag:s20] =	ssyncadd.s32 $0xFFFFFE00  }
0xa9: {  	_ =	swait.ge [sflag:s20], $0x200  }
0xaa: {  	[sflag:s20] =	ssyncset.done $0x0  }
0xab: {  	[sflag:s20] =	ssyncadd.s32 $0xFFFFFE00  }
0xac: {  	_ =	swait.ge [sflag:s20], $0x200  }
0xad: {  	[sflag:s20] =	ssyncset.done $0x0  }
0xae: {  	[sflag:s20] =	ssyncadd.s32 $0xFFFFFE00  }
0xaf: {  	_ =	swait.ge [sflag:s20], $0x200  }
0xb0: {  	[sflag:s20] =	ssyncset.done $0x0  }
0xb1: {  	[sflag:s20] =	ssyncadd.s32 $0xFFFFFE00  }
0xb2: {  	_ =	swait.ge [sflag:s20], $0x200  }
0xb3: {  	[sflag:s20] =	ssyncset.done $0x0  }
0xb4: {  	[sflag:s20] =	ssyncadd.s32 $0xFFFFFE00  }
0xb5: {  	_ =	swait.ge [sflag:s20], $0x200  }
0xb6: {  	[sflag:s20] =	ssyncset.done $0x0  }
0xb7: {  	[sflag:s20] =	ssyncadd.s32 $0xFFFFFE00  }
0xb8: {  	_ =	swait.ge [sflag:s20], $0x200  }
0xb9: {  	[sflag:s20] =	ssyncset.done $0x0  }
0xba: {  	[sflag:s20] =	ssyncadd.s32 $0xFFFFFE00  }
0xbb: {  	_ =	swait.ge [sflag:s20], $0x200  }
0xbc: {  	[sflag:s20] =	ssyncset.done $0x0  }
0xbd: {  	[sflag:s20] =	ssyncadd.s32 $0xFFFFFE00  }
0xbe: {  	_ =	swait.ge [sflag:s20], $0x200  }
0xbf: {  	[sflag:s20] =	ssyncset.done $0x0  }
0xc0: {  	[sflag:s20] =	ssyncadd.s32 $0xFFFFFE00  }
0xc1: {  	_ =	swait.ge [sflag:s20], $0x200  }
0xc2: {  	[sflag:s20] =	ssyncset.done $0x0  }
0xc3: {  	[sflag:s20] =	ssyncadd.s32 $0xFFFFFE00  }
0xc4: {  	_ =	swait.ge [sflag:s20], $0x200  }
0xc5: {  	[sflag:s20] =	ssyncset.done $0x0  }
0xc6: {  	[sflag:s20] =	ssyncadd.s32 $0xFFFFFE00  }
0xc7: {  	_ =	swait.ge [sflag:s20], $0x200  }
0xc8: {  	[sflag:s20] =	ssyncset.done $0x0  }
0xc9: {  	[sflag:s20] =	ssyncadd.s32 $0xFFFFFE00  }
0xca: {  	_ =	swait.ge [sflag:s20], $0x200  }
0xcb: {  	[sflag:s20] =	ssyncset.done $0x0  }
0xcc: {  	[sflag:s20] =	ssyncadd.s32 $0xFFFFFE00  }
0xcd: {  	_ =	swait.ge [sflag:s20], $0x200  }
0xce: {  	[sflag:s20] =	ssyncset.done $0x0  }
0xcf: {  	[sflag:s20] =	ssyncadd.s32 $0xFFFFFE00  }
0xd0: {  	_ =	swait.ge [sflag:s20], $0x200  }
0xd1: {  	[sflag:s20] =	ssyncset.done $0x0  }
0xd2: {  	[sflag:s20] =	ssyncadd.s32 $0xFFFFFE00  }
0xd3: {  	[bflag:$0x0] =	sbarrier.arrive $0xFFFF  }
0xd4: {  	s29 =	simm.s32 $0x3400;
	s26 =	rddreg [dreg:$0x4]  }
0xd5: {  	[tilespmem:s29], [sflag:$0x1] =	stream.indirect.gather [spmem:s26], $0x1, s4, s29, $0xb8;
	[tilespmem:$0x1CE68] =	vst v63  }
0xd6: {  	_ =	swait.ge [sflag:s17], $0x3400  }
0xd7: {  	[sflag:s17] =	ssyncset.done $0x0  }
0xd8: {  	[sflag:s17] =	ssyncadd.s32 $0xFFFFCC00  }
0xd9: {  	_ =	swait.ge [sflag:s20], $0x10  }
0xda: {  	[sflag:s20] =	ssyncset.done $0x0  }
0xdb: {  	[sflag:s20] =	ssyncadd.s32 $0xFFFFFFF0  }
0xdc: {  	v1 =	vld [tilespmem:$0x6A00]  }
0xdd: {  	v2 =	vld [tilespmem:s29+$0x0]  }
0xde: {  	s29 =	sand.u32 $0x1F0, s4  }
0xdf: {  	v3 =	vld [tilespmem:s29+$0x3600];
	_ =	sdelay $0x1  }
0xe0: {  	v4 =	vld [tilespmem:s29+$0x3800]  }
0xe1: {  	v2 =	vadd.f32 v2, v1  }
0xe2: {  	v5 =	vld [tilespmem:s29+$0x3A00]  }
0xe3: {  	v2 =	vadd.f32 v3, v2  }
0xe4: {  	v3 =	vld [tilespmem:s29+$0x3C00]  }
0xe5: {  	v2 =	vadd.f32 v4, v2  }
0xe6: {  	v50 =	vld [tilespmem:s29+$0x3E00]  }
0xe7: {  	v2 =	vadd.f32 v5, v2  }
0xe8: {  	v51 =	vld [tilespmem:s29+$0x4000]  }
0xe9: {  	v2 =	vadd.f32 v3, v2  }
0xea: {  	v3 =	vld [tilespmem:s29+$0x4200]  }
0xeb: {  	v2 =	vadd.f32 v50, v2  }
0xec: {  	v52 =	vld [tilespmem:s29+$0x4400]  }
0xed: {  	v2 =	vadd.f32 v51, v2  }
0xee: {  	v53 =	vld [tilespmem:s29+$0x4600]  }
0xef: {  	v2 =	vadd.f32 v3, v2  }
0xf0: {  	v3 =	vld [tilespmem:s29+$0x4800]  }
0xf1: {  	v2 =	vadd.f32 v52, v2  }
0xf2: {  	v54 =	vld [tilespmem:s29+$0x4A00]  }
0xf3: {  	v2 =	vadd.f32 v53, v2  }
0xf4: {  	v55 =	vld [tilespmem:s29+$0x4C00]  }
0xf5: {  	v2 =	vadd.f32 v3, v2  }
0xf6: {  	v3 =	vld [tilespmem:s29+$0x4E00]  }
0xf7: {  	v2 =	vadd.f32 v54, v2  }
0xf8: {  	v56 =	vld [tilespmem:s29+$0x5000]  }
0xf9: {  	v2 =	vadd.f32 v55, v2  }
0xfa: {  	v57 =	vld [tilespmem:s29+$0x5200]  }
0xfb: {  	v2 =	vadd.f32 v3, v2  }
0xfc: {  	v3 =	vld [tilespmem:s29+$0x5400]  }
0xfd: {  	v2 =	vadd.f32 v56, v2  }
0xfe: {  	v58 =	vld [tilespmem:s29+$0x5600]  }
0xff: {  	v2 =	vadd.f32 v57, v2  }
0x100: {  	v59 =	vld [tilespmem:s29+$0x5800]  }
0x101: {  	v2 =	vadd.f32 v3, v2  }
0x102: {  	v3 =	vld [tilespmem:s29+$0x5A00]  }
0x103: {  	v2 =	vadd.f32 v58, v2  }
0x104: {  	v60 =	vld [tilespmem:s29+$0x5C00]  }
0x105: {  	v2 =	vadd.f32 v59, v2  }
0x106: {  	v61 =	vld [tilespmem:s29+$0x5E00]  }
0x107: {  	v2 =	vadd.f32 v3, v2  }
0x108: {  	v3 =	vld [tilespmem:s29+$0x6000]  }
0x109: {  	v2 =	vadd.f32 v60, v2  }
0x10a: {  	v62 =	vld [tilespmem:s29+$0x6200]  }
0x10b: {  	v2 =	vadd.f32 v61, v2  }
0x10c: {  	v63 =	vld [tilespmem:s29+$0x6400]  }
0x10d: {  	v2 =	vadd.f32 v3, v2  }
0x10e: {  	v3 =	vld [tilespmem:s29+$0x6600]  }
0x10f: {  	v2 =	vadd.f32 v62, v2;
	_ =	sdelay $0x1  }
0x110: {  	v2 =	vadd.f32 v63, v2;
	_ =	sdelay $0x1  }
0x111: {  	v2 =	vadd.f32 v3, v2;
	_ =	sdelay $0x1  }
0x112: {  	s25 =	simm.s32 $0x3410;
	[tilespmem:s21+$0x0] =	vst v2  }
0x113: {  	s28 =	simm.s32 $0x20;
	s24 =	simm.s32 $0x6800;
	s26 =	simm.s32 $0x10;
	v2 =	vld [tilespmem:s25+$0x0]  }
.LBB2_2:
0x114: {  	p0 =	sne.s32 s28, $0x1F0;
	s29 =	sand.u32 $0x1F0, s26;
	s26 =	smov.u32 s28  }
0x115: {  	v3 =	vld [tilespmem:s29+$0x3600];
	_ =	sdelay $0x1  }
0x116: {  	v4 =	vld [tilespmem:s29+$0x3800]  }
0x117: {  	v2 =	vadd.f32 v2, v1  }
0x118: {  	v5 =	vld [tilespmem:s29+$0x3A00]  }
0x119: {  	v2 =	vadd.f32 v3, v2  }
0x11a: {  	v3 =	vld [tilespmem:s29+$0x3C00]  }
0x11b: {  	v2 =	vadd.f32 v4, v2  }
0x11c: {  	v4 =	vld [tilespmem:s29+$0x3E00]  }
0x11d: {  	v2 =	vadd.f32 v5, v2  }
0x11e: {  	v5 =	vld [tilespmem:s29+$0x4000]  }
0x11f: {  	v2 =	vadd.f32 v3, v2  }
0x120: {  	v3 =	vld [tilespmem:s29+$0x4200]  }
0x121: {  	v2 =	vadd.f32 v4, v2  }
0x122: {  	v4 =	vld [tilespmem:s29+$0x4400]  }
0x123: {  	v2 =	vadd.f32 v5, v2  }
0x124: {  	v5 =	vld [tilespmem:s29+$0x4600]  }
0x125: {  	v2 =	vadd.f32 v3, v2  }
0x126: {  	v3 =	vld [tilespmem:s29+$0x4800]  }
0x127: {  	v2 =	vadd.f32 v4, v2  }
0x128: {  	v4 =	vld [tilespmem:s29+$0x4A00]  }
0x129: {  	v2 =	vadd.f32 v5, v2  }
0x12a: {  	v5 =	vld [tilespmem:s29+$0x4C00]  }
0x12b: {  	v2 =	vadd.f32 v3, v2  }
0x12c: {  	v3 =	vld [tilespmem:s29+$0x4E00]  }
0x12d: {  	v2 =	vadd.f32 v4, v2  }
0x12e: {  	v4 =	vld [tilespmem:s29+$0x5000]  }
0x12f: {  	v2 =	vadd.f32 v5, v2  }
0x130: {  	v5 =	vld [tilespmem:s29+$0x5200]  }
0x131: {  	v2 =	vadd.f32 v3, v2  }
0x132: {  	v3 =	vld [tilespmem:s29+$0x5400]  }
0x133: {  	v2 =	vadd.f32 v4, v2  }
0x134: {  	v4 =	vld [tilespmem:s29+$0x5600]  }
0x135: {  	v2 =	vadd.f32 v5, v2  }
0x136: {  	v5 =	vld [tilespmem:s29+$0x5800]  }
0x137: {  	v2 =	vadd.f32 v3, v2  }
0x138: {  	v3 =	vld [tilespmem:s29+$0x5A00]  }
0x139: {  	v2 =	vadd.f32 v4, v2  }
0x13a: {  	v4 =	vld [tilespmem:s29+$0x5C00]  }
0x13b: {  	v2 =	vadd.f32 v5, v2  }
0x13c: {  	v5 =	vld [tilespmem:s29+$0x5E00]  }
0x13d: {  	v2 =	vadd.f32 v3, v2  }
0x13e: {  	v3 =	vld [tilespmem:s29+$0x6000]  }
0x13f: {  	v2 =	vadd.f32 v4, v2  }
0x140: {  	v4 =	vld [tilespmem:s29+$0x6200]  }
0x141: {  	v2 =	vadd.f32 v5, v2  }
0x142: {  	v5 =	vld [tilespmem:s29+$0x6400]  }
0x143: {  	v2 =	vadd.f32 v3, v2  }
0x144: {  	v3 =	vld [tilespmem:s29+$0x6600]  }
0x145: {  	v2 =	vadd.f32 v4, v2;
	_ =	sdelay $0x1  }
0x146: {  	v2 =	vadd.f32 v5, v2  }
.Ltmp0:
0x147: {  	(pc) =	sbr.rel @p0 .LBB2_2-.Ltmp0, $4  }
0x148: {  	v2 =	vadd.f32 v3, v2  }
0x149: {  	s24 =	sadd.s32 $0x10, s24  }
0x14a: {  	s25 =	sadd.s32 $0x10, s25;
	[tilespmem:s24+$0x0] =	vst v2  }
0x14b: {  	s28 =	sadd.s32 $0x10, s28;
	v2 =	vld [tilespmem:s25+$0x0]  }
0x14c: {  	s25 =	sand.u32 $0x1F0, s26  }
0x14d: {  	v3 =	vld [tilespmem:s25+$0x3600];
	_ =	sdelay $0x1  }
0x14e: {  	v4 =	vld [tilespmem:s25+$0x3800]  }
0x14f: {  	v1 =	vadd.f32 v2, v1  }
0x150: {  	v2 =	vld [tilespmem:s25+$0x3A00]  }
0x151: {  	v1 =	vadd.f32 v3, v1  }
0x152: {  	v3 =	vld [tilespmem:s25+$0x3C00]  }
0x153: {  	v1 =	vadd.f32 v4, v1  }
0x154: {  	v57 =	vld [tilespmem:s25+$0x3E00]  }
0x155: {  	v1 =	vadd.f32 v2, v1  }
0x156: {  	v2 =	vld [tilespmem:s25+$0x4000]  }
0x157: {  	v1 =	vadd.f32 v3, v1  }
0x158: {  	v3 =	vld [tilespmem:s25+$0x4200]  }
0x159: {  	v1 =	vadd.f32 v57, v1  }
0x15a: {  	v58 =	vld [tilespmem:s25+$0x4400]  }
0x15b: {  	v1 =	vadd.f32 v2, v1  }
0x15c: {  	v2 =	vld [tilespmem:s25+$0x4600]  }
0x15d: {  	v1 =	vadd.f32 v3, v1  }
0x15e: {  	v3 =	vld [tilespmem:s25+$0x4800]  }
0x15f: {  	v1 =	vadd.f32 v58, v1  }
0x160: {  	v59 =	vld [tilespmem:s25+$0x4A00]  }
0x161: {  	v1 =	vadd.f32 v2, v1  }
0x162: {  	v2 =	vld [tilespmem:s25+$0x4C00]  }
0x163: {  	v1 =	vadd.f32 v3, v1  }
0x164: {  	v3 =	vld [tilespmem:s25+$0x4E00]  }
0x165: {  	v1 =	vadd.f32 v59, v1  }
0x166: {  	v60 =	vld [tilespmem:s25+$0x5000]  }
0x167: {  	v1 =	vadd.f32 v2, v1  }
0x168: {  	v2 =	vld [tilespmem:s25+$0x5200]  }
0x169: {  	v1 =	vadd.f32 v3, v1  }
0x16a: {  	v3 =	vld [tilespmem:s25+$0x5400]  }
0x16b: {  	v1 =	vadd.f32 v60, v1  }
0x16c: {  	v61 =	vld [tilespmem:s25+$0x5600]  }
0x16d: {  	v1 =	vadd.f32 v2, v1  }
0x16e: {  	v2 =	vld [tilespmem:s25+$0x5800]  }
0x16f: {  	v1 =	vadd.f32 v3, v1  }
0x170: {  	v3 =	vld [tilespmem:s25+$0x5A00]  }
0x171: {  	v1 =	vadd.f32 v61, v1  }
0x172: {  	v62 =	vld [tilespmem:s25+$0x5C00]  }
0x173: {  	v1 =	vadd.f32 v2, v1  }
0x174: {  	v2 =	vld [tilespmem:s25+$0x5E00]  }
0x175: {  	v1 =	vadd.f32 v3, v1  }
0x176: {  	v3 =	vld [tilespmem:s25+$0x6000]  }
0x177: {  	v1 =	vadd.f32 v62, v1  }
0x178: {  	v63 =	vld [tilespmem:s25+$0x6200]  }
0x179: {  	v1 =	vadd.f32 v2, v1  }
0x17a: {  	v2 =	vld [tilespmem:s25+$0x6400]  }
0x17b: {  	v1 =	vadd.f32 v3, v1  }
0x17c: {  	v3 =	vld [tilespmem:s25+$0x6600]  }
0x17d: {  	v1 =	vadd.f32 v63, v1;
	_ =	sdelay $0x1  }
0x17e: {  	v1 =	vadd.f32 v2, v1;
	_ =	sdelay $0x1  }
0x17f: {  	v1 =	vadd.f32 v3, v1  }
0x180: {  	s24 =	sadd.s32 $0x10, s24  }
0x181: {  	s28 =	rddreg [dreg:$0x12];
	[tilespmem:s24+$0x0] =	vst v1  }
0x182: {  	[hbm4b:s28+s4] =	stream.linear.scatter [tilespmem:s21], [sflag:$0x4], $0x200, $0x38;
	[tilespmem:$0x1CE68] =	vst v63  }
0x183: {  	_ =	swait.ge [sflag:s22], $0x200  }
0x184: {  	s23 =	sadd.s32 $0x1, s23;
	s29 =	rddreg [dreg:$0x19]  }
0x185: {  	p0 =	sne.s32 s23, s29  }
.Ltmp1:
0x186: {  	_ = 	snop;
	(pc) =	sbr.rel @p0 .LBB2_1-.Ltmp1, $3  }
0x187: {  	_ =	sdelay $0x1  }
0x188: {  	[sflag:s22] =	ssyncset.done $0x0  }
0x189: {  	[sflag:s22] =	ssyncadd.s32 $0xFFFFFE00  }
0x18a: {  	_ =	sfence.sel $0x180000  }
0x18b: {  	[bflag:$0x0] =	sbarrier.arrive $0xFFFF  }
0x18c: {  	_ =	strace $0x90000047  }
0x18d: {  	s0 =	stileid.u32;
	[bflag:$0x2] =	sbarrier.arrive $0xFFFF  }
0x18e: {  	p0 =	sne.s32 s0, $0x0;
	s0 =	rddreg [dreg:$0x5]  }
0x18f: {  	s0 =	sadd.s32 @!p0 $0x100000, s0  }
0x190: {  	[sflag:s0] =	ssyncadd.tile.s32 @!p0 $0x1;
	_ =	shalt  }
.Lfunc_end2:
_tile_overlayer_lowered:
.L_overlay_start_2:
0x191: {  	(tag) =	ssettag $0x2  }
0x192: {  	s0 =	rddreg [dreg:$0x0];
	s2 =	stileid.u32  }
0x193: {  	s1 =	rddreg [dreg:$0x1];
	p0 =	sne.s32 s2, $0x0  }
0x194: {  	s3 =	rddreg [dreg:$0x2];
	[bflag:$0x3] =	sbarrier.arrive $0xFFFF;
	s2 =	simm.s32 @!p0 $0x1C04  }
0x195: {  	[timem:s3], [sflag:s2] =	dma.local @!p0 [hbm:s0], s1  }
0x196: {  	s0 =	simm.s32 @!p0 $0x4  }
0x197: {  	_ =	swait.ge @!p0 [sflag:s0], s1  }
0x198: {  	s1 =	ssub.s32 @!p0 $0x0, s1;
	[sflag:s0] =	ssyncset.done @!p0 $0x0  }
0x199: {  	[sflag:s0] =	ssyncadd.s32 @!p0 s1  }
0x19a: {  	[bflag:$0x3] =	sbarrier.arrive $0xFFFF  }
0x19b: {  	_ =	shalt  }

</sc_bundles>
